<compile_context>
chip_gen: v7x
topology: tpu7x:2x2x1
jax: 0.10.2.dev20260603
libtpu: 0.0.44.dev20260713+nightly
codegen_flags: <defaults>
</compile_context>

<pallas_src>
import dataclasses
import functools

import jax
import jax.numpy as jnp
from jax import lax
from jax.experimental import pallas as pl
from jax.experimental.pallas import tpu as pltpu
from jax.experimental.pallas import tpu_sc as plsc

N = 10000
E = 320000
NF = 128
NH = 256

NC = 2
NS = 16
CHUNK = 128
N_PAD = 10240
STRIPE = N_PAD // NS
E_PAD = 327680
EPT = E_PAD // (NC * NS)
NCHUNKS = EPT // CHUNK

_mesh = plsc.VectorSubcoreMesh(core_axis_name="c", subcore_axis_name="s")


_cp = pltpu.CompilerParams()
if "needs_layout_passes" in pltpu.CompilerParams.__dataclass_fields__:
    _cp = dataclasses.replace(_cp, needs_layout_passes=False)


@functools.partial(
    pl.kernel,
    mesh=_mesh,
    compiler_params=_cp,
    out_type=jax.ShapeDtypeStruct((NC * NS * 2 * N_PAD,), jnp.float32),
    scratch_types=[
        pltpu.VMEM((EPT,), jnp.int32),
        pltpu.VMEM((EPT,), jnp.int32),
        pltpu.VMEM((N_PAD,), jnp.float32),
        pltpu.VMEM((N_PAD,), jnp.float32),
    ],
)
def _count_sc(src_hbm, dst_hbm, zvec_hbm, out_hbm,
              isrc_v, idst_v, hsrc_v, hdst_v):
    c = lax.axis_index("c")
    s = lax.axis_index("s")
    w = c * NS + s
    pltpu.sync_copy(src_hbm.at[pl.ds(w * EPT, EPT)], isrc_v)
    pltpu.sync_copy(dst_hbm.at[pl.ds(w * EPT, EPT)], idst_v)
    pltpu.sync_copy(zvec_hbm, hsrc_v)
    pltpu.sync_copy(zvec_hbm, hdst_v)
    ones = jnp.ones((16,), jnp.float32)

    @pl.loop(0, EPT // 16)
    def _(i):
        plsc.addupdate_scatter(hsrc_v, [isrc_v[pl.ds(i * 16, 16)]], ones)
        plsc.addupdate_scatter(hdst_v, [idst_v[pl.ds(i * 16, 16)]], ones)

    pltpu.sync_copy(hsrc_v, out_hbm.at[pl.ds(w * N_PAD, N_PAD)])
    pltpu.sync_copy(hdst_v,
                    out_hbm.at[pl.ds((NC * NS + w) * N_PAD, N_PAD)])


GC = 40
GROUPS = NCHUNKS // GC


@functools.partial(
    pl.kernel,
    mesh=_mesh,
    out_type=jax.ShapeDtypeStruct((NC * N_PAD, NF), jnp.float32),
    scratch_types=[
        pltpu.VMEM((GC, CHUNK), jnp.int32),
        pltpu.VMEM((GC, CHUNK), jnp.int32),
        pltpu.VMEM((CHUNK, NF), jnp.float32),
        pltpu.VMEM((CHUNK, NF), jnp.float32),
        pltpu.SemaphoreType.DMA,
        pltpu.SemaphoreType.DMA,
        pltpu.SemaphoreType.DMA,
        pltpu.SemaphoreType.DMA,
        pltpu.VMEM_SHARED((N_PAD, NF), jnp.float32),
    ],
)
def _aggregate_sc(table_hbm, src_hbm, dst_hbm, zrow_hbm, out_hbm,
                  isrc_v, idst_v, rows_a, rows_b, sem_a, sem_b,
                  sem_sa, sem_sb, acc):
    c = lax.axis_index("c")
    s = lax.axis_index("s")
    w = c * NS + s
    pltpu.sync_copy(zrow_hbm, acc.at[pl.ds(s * STRIPE, STRIPE)])
    plsc.subcore_barrier()

    def _gather(j, rows, sem):
        return pltpu.async_copy(table_hbm.at[isrc_v.at[j]], rows, sem)

    def _gather_wait(j, rows, sem):
        pltpu.make_async_copy(table_hbm.at[isrc_v.at[j]], rows, sem).wait()

    def _scatter(j, rows, sem):
        return pltpu.async_copy(rows, acc.at[idst_v.at[j]], sem, add=True)

    def _scatter_wait(j, rows, sem):
        pltpu.make_async_copy(rows, acc.at[idst_v.at[j]], sem).wait()

    @pl.loop(0, GROUPS)
    def _(g):
        gbase = w * NCHUNKS + g * GC
        pltpu.sync_copy(src_hbm.at[pl.ds(gbase, GC)], isrc_v)
        pltpu.sync_copy(dst_hbm.at[pl.ds(gbase, GC)], idst_v)
        _gather(0, rows_a, sem_a)
        _gather_wait(0, rows_a, sem_a)
        _scatter(0, rows_a, sem_sa)
        _gather(1, rows_b, sem_b)

        @pl.loop(0, GC // 2 - 1)
        def _(p):
            jb = 2 * p + 1
            _gather_wait(jb, rows_b, sem_b)
            _scatter(jb, rows_b, sem_sb)
            _scatter_wait(jb - 1, rows_a, sem_sa)
            _gather(jb + 1, rows_a, sem_a)
            ja = 2 * p + 2
            _gather_wait(ja, rows_a, sem_a)
            _scatter(ja, rows_a, sem_sa)
            _scatter_wait(ja - 1, rows_b, sem_sb)
            _gather(ja + 1, rows_b, sem_b)

        _gather_wait(GC - 1, rows_b, sem_b)
        _scatter(GC - 1, rows_b, sem_sb)
        _scatter_wait(GC - 2, rows_a, sem_sa)
        _scatter_wait(GC - 1, rows_b, sem_sb)

    plsc.subcore_barrier()
    pltpu.sync_copy(acc.at[pl.ds(s * STRIPE, STRIPE)],
                    out_hbm.at[pl.ds(c * N_PAD + s * STRIPE, STRIPE)])


NCHUNKS2 = NC * NCHUNKS
GROUPS2 = NCHUNKS2 // GC


@functools.partial(
    pl.kernel,
    mesh=_mesh,
    out_type=jax.ShapeDtypeStruct((NC * N_PAD, NF), jnp.float32),
    scratch_types=[
        pltpu.VMEM((GC, CHUNK), jnp.int32),
        pltpu.VMEM((GC, CHUNK), jnp.int32),
        pltpu.VMEM((CHUNK, NF), jnp.float32),
        pltpu.VMEM((CHUNK, NF), jnp.float32),
        pltpu.SemaphoreType.DMA,
        pltpu.SemaphoreType.DMA,
        pltpu.SemaphoreType.DMA,
        pltpu.SemaphoreType.DMA,
        pltpu.VMEM_SHARED((N_PAD, NF), jnp.float32),
    ],
)
def _aggregate2_sc(ta_hbm, tb_hbm, src_hbm, dst_hbm, zrow_hbm, out_hbm,
                   isrc_v, idst_v, rows_a, rows_b, sem_a, sem_b,
                   sem_sa, sem_sb, acc):
    c = lax.axis_index("c")
    s = lax.axis_index("s")
    pltpu.sync_copy(zrow_hbm, acc.at[pl.ds(s * STRIPE, STRIPE)])
    plsc.subcore_barrier()

    def _run(table_hbm):
        def _gather(j, rows, sem):
            return pltpu.async_copy(table_hbm.at[isrc_v.at[j]], rows, sem)

        def _gather_wait(j, rows, sem):
            pltpu.make_async_copy(table_hbm.at[isrc_v.at[j]], rows,
                                  sem).wait()

        def _scatter(j, rows, sem):
            return pltpu.async_copy(rows, acc.at[idst_v.at[j]], sem,
                                    add=True)

        def _scatter_wait(j, rows, sem):
            pltpu.make_async_copy(rows, acc.at[idst_v.at[j]], sem).wait()

        @pl.loop(0, GROUPS2)
        def _(g):
            gbase = s * NCHUNKS2 + g * GC
            pltpu.sync_copy(src_hbm.at[pl.ds(gbase, GC)], isrc_v)
            pltpu.sync_copy(dst_hbm.at[pl.ds(gbase, GC)], idst_v)
            _gather(0, rows_a, sem_a)
            _gather_wait(0, rows_a, sem_a)
            _scatter(0, rows_a, sem_sa)
            _gather(1, rows_b, sem_b)

            @pl.loop(0, GC // 2 - 1)
            def _(p):
                jb = 2 * p + 1
                _gather_wait(jb, rows_b, sem_b)
                _scatter(jb, rows_b, sem_sb)
                _scatter_wait(jb - 1, rows_a, sem_sa)
                _gather(jb + 1, rows_a, sem_a)
                ja = 2 * p + 2
                _gather_wait(ja, rows_a, sem_a)
                _scatter(ja, rows_a, sem_sa)
                _scatter_wait(ja - 1, rows_b, sem_sb)
                _gather(ja + 1, rows_b, sem_b)

            _gather_wait(GC - 1, rows_b, sem_b)
            _scatter(GC - 1, rows_b, sem_sb)
            _scatter_wait(GC - 2, rows_a, sem_sa)
            _scatter_wait(GC - 1, rows_b, sem_sb)

    @pl.when(c == 0)
    def _():
        _run(ta_hbm)

    @pl.when(c == 1)
    def _():
        _run(tb_hbm)

    plsc.subcore_barrier()
    pltpu.sync_copy(acc.at[pl.ds(s * STRIPE, STRIPE)],
                    out_hbm.at[pl.ds(c * N_PAD + s * STRIPE, STRIPE)])


_R = 256
_GRID = N_PAD // _R


def _scale_body(feat_ref, cs_ref, cd_ref, o_ref, outr_ref, inr_ref):
    outr = lax.rsqrt(jnp.maximum(jnp.sum(cs_ref[...], axis=0), 1.0))
    inr = lax.rsqrt(jnp.maximum(jnp.sum(cd_ref[...], axis=0), 1.0))
    outr_ref[...] = outr
    inr_ref[...] = inr
    o_ref[...] = feat_ref[...] * outr[:, None]


def _mm_body(p0_ref, p1_ref, inr_ref, outr_ref, w1_ref, b1_ref, w2_ref,
             o0_ref, o1_ref):
    a = (p0_ref[0] + p1_ref[0]) * inr_ref[...][:, None]
    h = jnp.dot(a, w1_ref[...], preferred_element_type=jnp.float32)
    h = jnp.maximum(h + b1_ref[...], 0.0) * outr_ref[...][:, None]
    g = jnp.dot(h, w2_ref[...], preferred_element_type=jnp.float32)
    o0_ref[...] = g[:, :NF]
    o1_ref[...] = g[:, NF:]


def _final_body(q0_ref, q1_ref, inr_ref, b2_ref, w3_ref, o_ref):
    inr = inr_ref[...][:, None]
    m0 = q0_ref[0] * inr + b2_ref[...][:, :NF]
    m1 = q1_ref[0] * inr + b2_ref[...][:, NF:]
    h0 = jnp.maximum(m0, 0.0)
    h1 = jnp.maximum(m1, 0.0)
    o_ref[...] = (jnp.dot(h0, w3_ref[...][:NF], preferred_element_type=jnp.float32)
                  + jnp.dot(h1, w3_ref[...][NF:], preferred_element_type=jnp.float32))


def _vec_spec():
    return pl.BlockSpec((_R,), lambda i: (i,))


def _row_spec():
    return pl.BlockSpec((_R, NF), lambda i: (i, 0))


def _part_spec(core):
    return pl.BlockSpec((1, _R, NF), lambda i, c=core: (c, i, 0))


def _full(shape):
    return pl.BlockSpec(shape, lambda i: tuple(0 for _ in shape))


def _scale_tc(feat_p, cnts):
    cnt_spec_s = pl.BlockSpec((NC * NS, _R), lambda i: (0, i))
    cnt_spec_d = pl.BlockSpec((NC * NS, _R), lambda i: (1, i))
    return pl.pallas_call(
        _scale_body,
        grid=(_GRID,),
        in_specs=[_row_spec(), cnt_spec_s, cnt_spec_d],
        out_specs=(_row_spec(), _vec_spec(), _vec_spec()),
        out_shape=(jax.ShapeDtypeStruct((N_PAD, NF), jnp.float32),
                   jax.ShapeDtypeStruct((N_PAD,), jnp.float32),
                   jax.ShapeDtypeStruct((N_PAD,), jnp.float32)),
    )(feat_p, cnts, cnts)


def _mm_tc(parts, inr, outr, W1, b1r, W2):
    return pl.pallas_call(
        _mm_body,
        grid=(_GRID,),
        in_specs=[_part_spec(0), _part_spec(1), _vec_spec(), _vec_spec(),
                  _full((NF, 2 * NH)), _full((1, 2 * NH)), _full((2 * NH, NH))],
        out_specs=(_row_spec(), _row_spec()),
        out_shape=(jax.ShapeDtypeStruct((N_PAD, NF), jnp.float32),
                   jax.ShapeDtypeStruct((N_PAD, NF), jnp.float32)),
    )(parts, parts, inr, outr, W1, b1r, W2)


def _final_tc(q, inr, b2r, W3p):
    return pl.pallas_call(
        _final_body,
        grid=(_GRID,),
        in_specs=[_part_spec(0), _part_spec(1),
                  _vec_spec(), _full((1, NH)), _full((NH, NF))],
        out_specs=_row_spec(),
        out_shape=jax.ShapeDtypeStruct((N_PAD, NF), jnp.float32),
    )(q, q, inr, b2r, W3p)


def kernel(feat, edge_index, W1, b1, W2, b2, W3, b3):
    src = edge_index[0].astype(jnp.int32)
    dst = edge_index[1].astype(jnp.int32)
    padi = N + jnp.arange(E_PAD - E, dtype=jnp.int32) % (N_PAD - N)
    src_f = jnp.concatenate([src, padi])
    dst_f = jnp.concatenate([dst, padi])
    src_p = src_f.reshape(NC * NS * NCHUNKS, CHUNK)
    dst_p = dst_f.reshape(NC * NS * NCHUNKS, CHUNK)

    zrow = jnp.zeros((STRIPE, NF), jnp.float32)
    zvec = jnp.zeros((N_PAD,), jnp.float32)

    cnts = _count_sc(src_f, dst_f, zvec).reshape(2 * NC * NS, N_PAD)

    feat_p = jnp.concatenate([feat, jnp.zeros((N_PAD - N, NF), jnp.float32)])
    xs, outr, inr = _scale_tc(feat_p, cnts)

    p1 = _aggregate_sc(xs, src_p, dst_p, zrow).reshape(NC, N_PAD, NF)
    g2a, g2b = _mm_tc(p1, inr, outr, W1, b1.reshape(1, -1), W2)

    q = _aggregate2_sc(g2a, g2b, src_p, dst_p, zrow).reshape(NC, N_PAD, NF)

    W3p = jnp.concatenate([W3, jnp.zeros((NH, NF - 1), jnp.float32)], axis=1)
    outp = _final_tc(q, inr, b2.reshape(1, -1), W3p)
    return outp[:N, 0:1] + b3

# --- scband reference (transcript-rebuilt; emitter-appended) ---
"""Pipeline reference for scband-valuator-9234179686681 (READ-ONLY COPY).

The authoritative reference and input builder live on the scoring server;
editing this copy changes nothing except your own understanding.
"""

import jax, jax.numpy as jnp
import numpy as np

N_NODES = 10000
N_EDGES = 320000
NFEAT = 128
NHID = 256


def setup_inputs(seed: int = 0) -> dict:
    key = jax.random.key(seed)
    k1, k2, k3, k4, k5 = jax.random.split(key, 5)
    feat = jax.random.normal(k1, (N_NODES, NFEAT), dtype=jnp.float32)
    edge_index = jax.random.randint(k2, (2, N_EDGES), 0, N_NODES, dtype=jnp.int64)
    # GraphConv weights (DGL default: xavier init, bias zeros)
    W1 = jax.random.normal(k3, (NFEAT, 2 * NHID), dtype=jnp.float32) * (2.0 / (NFEAT + 2 * NHID)) ** 0.5
    b1 = jnp.zeros((2 * NHID,), dtype=jnp.float32)
    W2 = jax.random.normal(k4, (2 * NHID, NHID), dtype=jnp.float32) * (2.0 / (2 * NHID + NHID)) ** 0.5
    b2 = jnp.zeros((NHID,), dtype=jnp.float32)
    W3 = jax.random.normal(k5, (NHID, 1), dtype=jnp.float32) * (1.0 / NHID) ** 0.5
    b3 = jnp.zeros((1,), dtype=jnp.float32)
    return {"feat": feat, "edge_index": edge_index, "W1": W1, "b1": b1,
            "W2": W2, "b2": b2, "W3": W3, "b3": b3}


def _graph_conv(feat, edge_index, W, b):
    # DGL GraphConv with norm='both', allow_zero_in_degree=True:
    # h = D_in^{-1/2} * A * (D_out^{-1/2} * X) * W + b, degrees clamped to min 1
    src = edge_index[0]
    dst = edge_index[1]
    out_deg = jnp.clip(jnp.bincount(src, length=N_NODES), 1, None).astype(feat.dtype)
    in_deg = jnp.clip(jnp.bincount(dst, length=N_NODES), 1, None).astype(feat.dtype)
    h = feat * (out_deg ** -0.5)[:, None]
    # DGL multiplies by W first when in_feats > out_feats; math is identical either way
    h = h @ W
    msg = jnp.take(h, src, axis=0)
    agg = jax.ops.segment_sum(msg, dst, num_segments=N_NODES)
    agg = agg * (in_deg ** -0.5)[:, None]
    return agg + b


def reference(feat, edge_index, W1, b1, W2, b2, W3, b3):
    x = jax.nn.relu(_graph_conv(feat, edge_index, W1, b1))
    # F.dropout with training=False -> identity (eval mode)
    x = jax.nn.relu(_graph_conv(x, edge_index, W2, b2))
    x = x @ W3 + b3
    return x

if __name__ == "__main__":
    import jax
    _d = setup_inputs()
    print(jax.jit(kernel)(*tuple(_d.values())))

</pallas_src>

<mosaic_0001>
#map = affine_map<(d0, d1) -> (0)>
module attributes {stable_mosaic.version = 14 : i64} {
  func.func @_count_sc(%arg0: i32, %arg1: i32, %arg2: memref<327680xi32, #tpu.memory_space<hbm>>, %arg3: memref<327680xi32, #tpu.memory_space<hbm>>, %arg4: memref<10240xf32, #tpu.memory_space<hbm>>, %arg5: memref<655360xf32, #tpu.memory_space<hbm>>, %arg6: memref<10240xi32, #tpu.memory_space<vmem>>, %arg7: memref<10240xi32, #tpu.memory_space<vmem>>, %arg8: memref<10240xf32, #tpu.memory_space<vmem>>, %arg9: memref<10240xf32, #tpu.memory_space<vmem>>) attributes {dimension_semantics = [#tpu.dimension_semantics<core_parallel>, #tpu.dimension_semantics<subcore_parallel>], iteration_bounds = array<i64: 2, 16>, scalar_prefetch = 0 : i64, scratch_operands = 4 : i64, tpu.core_type = #tpu.core_type<sc_vector_subcore>, window_params = [{transform_indices = #map}, {transform_indices = #map}, {transform_indices = #map}, {transform_indices = #map}]} {
    %mul3A = arith.constant 16 : i32
    %mul3A_0 = arith.muli %arg0, %mul3A : i32
    %add3A = arith.addi %mul3A_0, %arg1 : i32
    %mul3A_1 = arith.constant 10240 : i32
    %mul3A_2 = arith.muli %add3A, %mul3A_1 : i32
    "tpu.region"() ({
      %run_scoped3A = tpu.sem_alloc : memref<!tpu.dma_semaphore, #tpu.memory_space<semaphore_mem>>
      %dma_start3A = tpu.memref_slice %arg2[%mul3A_2] : memref<327680xi32, #tpu.memory_space<hbm>> -> memref<10240xi32, #tpu.memory_space<hbm>>
      %dma_start3A_16 = tpu.memref_slice %arg2[%mul3A_2] : memref<327680xi32, #tpu.memory_space<hbm>> -> memref<10240xi32, #tpu.memory_space<hbm>>
      tpu.enqueue_dma source(%dma_start3A_16 : memref<10240xi32, #tpu.memory_space<hbm>>) target(%arg6 : memref<10240xi32, #tpu.memory_space<vmem>>) target_semaphore(%run_scoped3A : memref<!tpu.dma_semaphore, #tpu.memory_space<semaphore_mem>>)
      %dma_wait3A = tpu.memref_slice %arg2[%mul3A_2] : memref<327680xi32, #tpu.memory_space<hbm>> -> memref<10240xi32, #tpu.memory_space<hbm>>
      %dma_wait3A_17 = tpu.memref_slice %arg2[%mul3A_2] : memref<327680xi32, #tpu.memory_space<hbm>> -> memref<10240xi32, #tpu.memory_space<hbm>>
      tpu.wait_dma2 semaphore(%run_scoped3A : memref<!tpu.dma_semaphore, #tpu.memory_space<semaphore_mem>>) src(%dma_wait3A_17 : memref<10240xi32, #tpu.memory_space<hbm>>) dst(%arg6 : memref<10240xi32, #tpu.memory_space<vmem>>)
      tpu.yield
    }) : () -> ()
    %mul3A_3 = arith.constant 10240 : i32
    %mul3A_4 = arith.muli %add3A, %mul3A_3 : i32
    "tpu.region"() ({
      %run_scoped3A = tpu.sem_alloc : memref<!tpu.dma_semaphore, #tpu.memory_space<semaphore_mem>>
      %dma_start3A = tpu.memref_slice %arg3[%mul3A_4] : memref<327680xi32, #tpu.memory_space<hbm>> -> memref<10240xi32, #tpu.memory_space<hbm>>
      %dma_start3A_16 = tpu.memref_slice %arg3[%mul3A_4] : memref<327680xi32, #tpu.memory_space<hbm>> -> memref<10240xi32, #tpu.memory_space<hbm>>
      tpu.enqueue_dma source(%dma_start3A_16 : memref<10240xi32, #tpu.memory_space<hbm>>) target(%arg7 : memref<10240xi32, #tpu.memory_space<vmem>>) target_semaphore(%run_scoped3A : memref<!tpu.dma_semaphore, #tpu.memory_space<semaphore_mem>>)
      %dma_wait3A = tpu.memref_slice %arg3[%mul3A_4] : memref<327680xi32, #tpu.memory_space<hbm>> -> memref<10240xi32, #tpu.memory_space<hbm>>
      %dma_wait3A_17 = tpu.memref_slice %arg3[%mul3A_4] : memref<327680xi32, #tpu.memory_space<hbm>> -> memref<10240xi32, #tpu.memory_space<hbm>>
      tpu.wait_dma2 semaphore(%run_scoped3A : memref<!tpu.dma_semaphore, #tpu.memory_space<semaphore_mem>>) src(%dma_wait3A_17 : memref<10240xi32, #tpu.memory_space<hbm>>) dst(%arg7 : memref<10240xi32, #tpu.memory_space<vmem>>)
      tpu.yield
    }) : () -> ()
    "tpu.region"() ({
      %run_scoped3A = tpu.sem_alloc : memref<!tpu.dma_semaphore, #tpu.memory_space<semaphore_mem>>
      tpu.enqueue_dma source(%arg4 : memref<10240xf32, #tpu.memory_space<hbm>>) target(%arg8 : memref<10240xf32, #tpu.memory_space<vmem>>) target_semaphore(%run_scoped3A : memref<!tpu.dma_semaphore, #tpu.memory_space<semaphore_mem>>)
      tpu.wait_dma2 semaphore(%run_scoped3A : memref<!tpu.dma_semaphore, #tpu.memory_space<semaphore_mem>>) src(%arg4 : memref<10240xf32, #tpu.memory_space<hbm>>) dst(%arg8 : memref<10240xf32, #tpu.memory_space<vmem>>)
      tpu.yield
    }) : () -> ()
    "tpu.region"() ({
      %run_scoped3A = tpu.sem_alloc : memref<!tpu.dma_semaphore, #tpu.memory_space<semaphore_mem>>
      tpu.enqueue_dma source(%arg4 : memref<10240xf32, #tpu.memory_space<hbm>>) target(%arg9 : memref<10240xf32, #tpu.memory_space<vmem>>) target_semaphore(%run_scoped3A : memref<!tpu.dma_semaphore, #tpu.memory_space<semaphore_mem>>)
      tpu.wait_dma2 semaphore(%run_scoped3A : memref<!tpu.dma_semaphore, #tpu.memory_space<semaphore_mem>>) src(%arg4 : memref<10240xf32, #tpu.memory_space<hbm>>) dst(%arg9 : memref<10240xf32, #tpu.memory_space<vmem>>)
      tpu.yield
    }) : () -> ()
    %broadcast_in_dim3A = arith.constant 1.000000e+00 : f32
    %broadcast_in_dim3A_5 = vector.broadcast %broadcast_in_dim3A : f32 to vector<16xf32>
    %scan3A = arith.constant 0 : i32
    %scan3A_6 = arith.constant 640 : i32
    %scan3A_7 = arith.addi %scan3A, %scan3A_6 : i32
    %scan3A_8 = arith.constant 1 : i32
    scf.for %scan3A_16 = %scan3A to %scan3A_7 step %scan3A_8  : i32 {
      %mul3A_17 = arith.constant 1 : i32
      %mul3A_18 = arith.muli %scan3A_16, %mul3A_17 : i32
      %add3A_19 = arith.constant 0 : i32
      %add3A_20 = arith.addi %add3A_19, %mul3A_18 : i32
      %mul3A_21 = arith.constant 16 : i32
      %mul3A_22 = arith.muli %add3A_20, %mul3A_21 : i32
      %get3A = arith.index_cast %mul3A_22 : i32 to index
      %get3A_23 = tpu.vector_load %arg6[%get3A] {strides = array<i32>} : memref<10240xi32, #tpu.memory_space<vmem>>, vector<16xi32>,
      tpu.vector_store_idx %arg8[%get3A_23], %broadcast_in_dim3A_5 {add = true} : memref<10240xf32, #tpu.memory_space<vmem>>[vector<16xi32>], vector<16xf32>,
      %mul3A_24 = arith.constant 16 : i32
      %mul3A_25 = arith.muli %add3A_20, %mul3A_24 : i32
      %get3A_26 = arith.index_cast %mul3A_25 : i32 to index
      %get3A_27 = tpu.vector_load %arg7[%get3A_26] {strides = array<i32>} : memref<10240xi32, #tpu.memory_space<vmem>>, vector<16xi32>,
      tpu.vector_store_idx %arg9[%get3A_27], %broadcast_in_dim3A_5 {add = true} : memref<10240xf32, #tpu.memory_space<vmem>>[vector<16xi32>], vector<16xf32>,
    }
    %scan3A_9 = arith.constant 640 : i32
    %mul3A_10 = arith.constant 10240 : i32
    %mul3A_11 = arith.muli %add3A, %mul3A_10 : i32
    "tpu.region"() ({
      %run_scoped3A = tpu.sem_alloc : memref<!tpu.dma_semaphore, #tpu.memory_space<semaphore_mem>>
      %dma_start3A = tpu.memref_slice %arg5[%mul3A_11] : memref<655360xf32, #tpu.memory_space<hbm>> -> memref<10240xf32, #tpu.memory_space<hbm>>
      %dma_start3A_16 = tpu.memref_slice %arg5[%mul3A_11] : memref<655360xf32, #tpu.memory_space<hbm>> -> memref<10240xf32, #tpu.memory_space<hbm>>
      tpu.enqueue_dma source(%arg8 : memref<10240xf32, #tpu.memory_space<vmem>>) target(%dma_start3A_16 : memref<10240xf32, #tpu.memory_space<hbm>>) target_semaphore(%run_scoped3A : memref<!tpu.dma_semaphore, #tpu.memory_space<semaphore_mem>>)
      %dma_wait3A = tpu.memref_slice %arg5[%mul3A_11] : memref<655360xf32, #tpu.memory_space<hbm>> -> memref<10240xf32, #tpu.memory_space<hbm>>
      %dma_wait3A_17 = tpu.memref_slice %arg5[%mul3A_11] : memref<655360xf32, #tpu.memory_space<hbm>> -> memref<10240xf32, #tpu.memory_space<hbm>>
      tpu.wait_dma2 semaphore(%run_scoped3A : memref<!tpu.dma_semaphore, #tpu.memory_space<semaphore_mem>>) src(%arg8 : memref<10240xf32, #tpu.memory_space<vmem>>) dst(%dma_wait3A_17 : memref<10240xf32, #tpu.memory_space<hbm>>)
      tpu.yield
    }) : () -> ()
    %add3A_12 = arith.constant 32 : i32
    %add3A_13 = arith.addi %add3A_12, %add3A : i32
    %mul3A_14 = arith.constant 10240 : i32
    %mul3A_15 = arith.muli %add3A_13, %mul3A_14 : i32
    "tpu.region"() ({
      %run_scoped3A = tpu.sem_alloc : memref<!tpu.dma_semaphore, #tpu.memory_space<semaphore_mem>>
      %dma_start3A = tpu.memref_slice %arg5[%mul3A_15] : memref<655360xf32, #tpu.memory_space<hbm>> -> memref<10240xf32, #tpu.memory_space<hbm>>
      %dma_start3A_16 = tpu.memref_slice %arg5[%mul3A_15] : memref<655360xf32, #tpu.memory_space<hbm>> -> memref<10240xf32, #tpu.memory_space<hbm>>
      tpu.enqueue_dma source(%arg9 : memref<10240xf32, #tpu.memory_space<vmem>>) target(%dma_start3A_16 : memref<10240xf32, #tpu.memory_space<hbm>>) target_semaphore(%run_scoped3A : memref<!tpu.dma_semaphore, #tpu.memory_space<semaphore_mem>>)
      %dma_wait3A = tpu.memref_slice %arg5[%mul3A_15] : memref<655360xf32, #tpu.memory_space<hbm>> -> memref<10240xf32, #tpu.memory_space<hbm>>
      %dma_wait3A_17 = tpu.memref_slice %arg5[%mul3A_15] : memref<655360xf32, #tpu.memory_space<hbm>> -> memref<10240xf32, #tpu.memory_space<hbm>>
      tpu.wait_dma2 semaphore(%run_scoped3A : memref<!tpu.dma_semaphore, #tpu.memory_space<semaphore_mem>>) src(%arg9 : memref<10240xf32, #tpu.memory_space<vmem>>) dst(%dma_wait3A_17 : memref<10240xf32, #tpu.memory_space<hbm>>)
      tpu.yield
    }) : () -> ()
    return
  }
}

#map = affine_map<(d0, d1) -> (0, 0)>
module attributes {stable_mosaic.version = 14 : i64} {
  func.func @_aggregate2_sc(%arg0: i32, %arg1: i32, %arg2: memref<10240x128xf32, #tpu.memory_space<hbm>>, %arg3: memref<10240x128xf32, #tpu.memory_space<hbm>>, %arg4: memref<2560x128xi32, #tpu.memory_space<hbm>>, %arg5: memref<2560x128xi32, #tpu.memory_space<hbm>>, %arg6: memref<640x128xf32, #tpu.memory_space<hbm>>, %arg7: memref<20480x128xf32, #tpu.memory_space<hbm>>, %arg8: memref<40x128xi32, #tpu.memory_space<vmem>>, %arg9: memref<40x128xi32, #tpu.memory_space<vmem>>, %arg10: memref<128x128xf32, #tpu.memory_space<vmem>>, %arg11: memref<128x128xf32, #tpu.memory_space<vmem>>, %arg12: memref<!tpu.dma_semaphore, #tpu.memory_space<semaphore_mem>>, %arg13: memref<!tpu.dma_semaphore, #tpu.memory_space<semaphore_mem>>, %arg14: memref<!tpu.dma_semaphore, #tpu.memory_space<semaphore_mem>>, %arg15: memref<!tpu.dma_semaphore, #tpu.memory_space<semaphore_mem>>, %arg16: memref<10240x128xf32, #tpu.memory_space<vmem_shared>>) attributes {dimension_semantics = [#tpu.dimension_semantics<core_parallel>, #tpu.dimension_semantics<subcore_parallel>], iteration_bounds = array<i64: 2, 16>, scalar_prefetch = 0 : i64, scratch_operands = 9 : i64, tpu.core_type = #tpu.core_type<sc_vector_subcore>, window_params = [{transform_indices = #map}, {transform_indices = #map}, {transform_indices = #map}, {transform_indices = #map}, {transform_indices = #map}, {transform_indices = #map}]} {
    %mul3A = arith.constant 640 : i32
    %mul3A_0 = arith.muli %arg1, %mul3A : i32
    "tpu.region"() ({
      %run_scoped3A = tpu.sem_alloc : memref<!tpu.dma_semaphore, #tpu.memory_space<semaphore_mem>>
      %dma_start3A = arith.constant 0 : i32
      %dma_start3A_15 = tpu.memref_slice %arg16[%mul3A_0, %dma_start3A] : memref<10240x128xf32, #tpu.memory_space<vmem_shared>> -> memref<640x128xf32, #tpu.memory_space<vmem_shared>>
      tpu.enqueue_dma source(%arg6 : memref<640x128xf32, #tpu.memory_space<hbm>>) target(%dma_start3A_15 : memref<640x128xf32, #tpu.memory_space<vmem_shared>>) target_semaphore(%run_scoped3A : memref<!tpu.dma_semaphore, #tpu.memory_space<semaphore_mem>>)
      %dma_wait3A = arith.constant 0 : i32
      %dma_wait3A_16 = tpu.memref_slice %arg16[%mul3A_0, %dma_wait3A] : memref<10240x128xf32, #tpu.memory_space<vmem_shared>> -> memref<640x128xf32, #tpu.memory_space<vmem_shared>>
      tpu.wait_dma2 semaphore(%run_scoped3A : memref<!tpu.dma_semaphore, #tpu.memory_space<semaphore_mem>>) src(%arg6 : memref<640x128xf32, #tpu.memory_space<hbm>>) dst(%dma_wait3A_16 : memref<640x128xf32, #tpu.memory_space<vmem_shared>>)
      tpu.yield
    }) : () -> ()
    %barrier3A = arith.constant 0 : index
    tpu.barrier barrier_id(%barrier3A)
    %eq3A = arith.constant 0 : i32
    %eq3A_1 = arith.cmpi eq, %arg0, %eq3A : i32
    %convert_element_type3A = arith.extui %eq3A_1 : i1 to i32
    %cond3A = arith.constant 0 : i32
    %cond3A_2 = arith.cmpi ne, %convert_element_type3A, %cond3A : i32
    scf.if %cond3A_2 {
      %scan3A = arith.constant 0 : i32
      %scan3A_15 = arith.constant 4 : i32
      %scan3A_16 = arith.addi %scan3A, %scan3A_15 : i32
      %scan3A_17 = arith.constant 1 : i32
      scf.for %scan3A_19 = %scan3A to %scan3A_16 step %scan3A_17  : i32 {
        %mul3A_20 = arith.constant 1 : i32
        %mul3A_21 = arith.muli %scan3A_19, %mul3A_20 : i32
        %add3A_22 = arith.constant 0 : i32
        %add3A_23 = arith.addi %add3A_22, %mul3A_21 : i32
        %mul3A_24 = arith.constant 160 : i32
        %mul3A_25 = arith.muli %arg1, %mul3A_24 : i32
        %mul3A_26 = arith.constant 40 : i32
        %mul3A_27 = arith.muli %add3A_23, %mul3A_26 : i32
        %add3A_28 = arith.addi %mul3A_25, %mul3A_27 : i32
        "tpu.region"() ({
          %run_scoped3A = tpu.sem_alloc : memref<!tpu.dma_semaphore, #tpu.memory_space<semaphore_mem>>
          %dma_start3A_88 = arith.constant 0 : i32
          %dma_start3A_89 = tpu.memref_slice %arg4[%add3A_28, %dma_start3A_88] : memref<2560x128xi32, #tpu.memory_space<hbm>> -> memref<40x128xi32, #tpu.memory_space<hbm>>
          %dma_start3A_90 = arith.constant 0 : i32
          %dma_start3A_91 = tpu.memref_slice %arg4[%add3A_28, %dma_start3A_90] : memref<2560x128xi32, #tpu.memory_space<hbm>> -> memref<40x128xi32, #tpu.memory_space<hbm>>
          tpu.enqueue_dma source(%dma_start3A_91 : memref<40x128xi32, #tpu.memory_space<hbm>>) target(%arg8 : memref<40x128xi32, #tpu.memory_space<vmem>>) target_semaphore(%run_scoped3A : memref<!tpu.dma_semaphore, #tpu.memory_space<semaphore_mem>>)
          %dma_wait3A_92 = arith.constant 0 : i32
          %dma_wait3A_93 = tpu.memref_slice %arg4[%add3A_28, %dma_wait3A_92] : memref<2560x128xi32, #tpu.memory_space<hbm>> -> memref<40x128xi32, #tpu.memory_space<hbm>>
          %dma_wait3A_94 = arith.constant 0 : i32
          %dma_wait3A_95 = tpu.memref_slice %arg4[%add3A_28, %dma_wait3A_94] : memref<2560x128xi32, #tpu.memory_space<hbm>> -> memref<40x128xi32, #tpu.memory_space<hbm>>
          tpu.wait_dma2 semaphore(%run_scoped3A : memref<!tpu.dma_semaphore, #tpu.memory_space<semaphore_mem>>) src(%dma_wait3A_95 : memref<40x128xi32, #tpu.memory_space<hbm>>) dst(%arg8 : memref<40x128xi32, #tpu.memory_space<vmem>>)
          tpu.yield
        }) : () -> ()
        "tpu.region"() ({
          %run_scoped3A = tpu.sem_alloc : memref<!tpu.dma_semaphore, #tpu.memory_space<semaphore_mem>>
          %dma_start3A_88 = arith.constant 0 : i32
          %dma_start3A_89 = tpu.memref_slice %arg5[%add3A_28, %dma_start3A_88] : memref<2560x128xi32, #tpu.memory_space<hbm>> -> memref<40x128xi32, #tpu.memory_space<hbm>>
          %dma_start3A_90 = arith.constant 0 : i32
          %dma_start3A_91 = tpu.memref_slice %arg5[%add3A_28, %dma_start3A_90] : memref<2560x128xi32, #tpu.memory_space<hbm>> -> memref<40x128xi32, #tpu.memory_space<hbm>>
          tpu.enqueue_dma source(%dma_start3A_91 : memref<40x128xi32, #tpu.memory_space<hbm>>) target(%arg9 : memref<40x128xi32, #tpu.memory_space<vmem>>) target_semaphore(%run_scoped3A : memref<!tpu.dma_semaphore, #tpu.memory_space<semaphore_mem>>)
          %dma_wait3A_92 = arith.constant 0 : i32
          %dma_wait3A_93 = tpu.memref_slice %arg5[%add3A_28, %dma_wait3A_92] : memref<2560x128xi32, #tpu.memory_space<hbm>> -> memref<40x128xi32, #tpu.memory_space<hbm>>
          %dma_wait3A_94 = arith.constant 0 : i32
          %dma_wait3A_95 = tpu.memref_slice %arg5[%add3A_28, %dma_wait3A_94] : memref<2560x128xi32, #tpu.memory_space<hbm>> -> memref<40x128xi32, #tpu.memory_space<hbm>>
          tpu.wait_dma2 semaphore(%run_scoped3A : memref<!tpu.dma_semaphore, #tpu.memory_space<semaphore_mem>>) src(%dma_wait3A_95 : memref<40x128xi32, #tpu.memory_space<hbm>>) dst(%arg9 : memref<40x128xi32, #tpu.memory_space<vmem>>)
          tpu.yield
        }) : () -> ()
        %dma_start3A = arith.constant 0 : i32
        %dma_start3A_29 = arith.constant 0 : i32
        %dma_start3A_30 = tpu.memref_slice %arg8[%dma_start3A, %dma_start3A_29] : memref<40x128xi32, #tpu.memory_space<vmem>> -> memref<1x128xi32, #tpu.memory_space<vmem>>
        %dma_start3A_31 = tpu.memref_squeeze %dma_start3A_30 : memref<1x128xi32, #tpu.memory_space<vmem>> -> memref<128xi32, #tpu.memory_space<vmem>>
        %dma_start3A_32 = arith.constant 0 : i32
        %dma_start3A_33 = arith.constant 0 : i32
        %dma_start3A_34 = tpu.memref_slice %arg2[%dma_start3A_32, %dma_start3A_33] : memref<10240x128xf32, #tpu.memory_space<hbm>> -> memref<10240x128xf32, #tpu.memory_space<hbm>>
        tpu.enqueue_indirect_dma source(%dma_start3A_34 : memref<10240x128xf32, #tpu.memory_space<hbm>>) target(%arg10 : memref<128x128xf32, #tpu.memory_space<vmem>>) offsets(%dma_start3A_31 : memref<128xi32, #tpu.memory_space<vmem>>) semaphore(%arg12 : memref<!tpu.dma_semaphore, #tpu.memory_space<semaphore_mem>>)
        %dma_wait3A = arith.constant 0 : i32
        %dma_wait3A_35 = arith.constant 0 : i32
        %dma_wait3A_36 = tpu.memref_slice %arg8[%dma_wait3A, %dma_wait3A_35] : memref<40x128xi32, #tpu.memory_space<vmem>> -> memref<1x128xi32, #tpu.memory_space<vmem>>
        %dma_wait3A_37 = tpu.memref_squeeze %dma_wait3A_36 : memref<1x128xi32, #tpu.memory_space<vmem>> -> memref<128xi32, #tpu.memory_space<vmem>>
        %dma_wait3A_38 = arith.constant 0 : i32
        %dma_wait3A_39 = arith.constant 0 : i32
        %dma_wait3A_40 = tpu.memref_slice %arg2[%dma_wait3A_38, %dma_wait3A_39] : memref<10240x128xf32, #tpu.memory_space<hbm>> -> memref<10240x128xf32, #tpu.memory_space<hbm>>
        tpu.wait_indirect_dma semaphore(%arg12 : memref<!tpu.dma_semaphore, #tpu.memory_space<semaphore_mem>>) src(%dma_wait3A_40 : memref<10240x128xf32, #tpu.memory_space<hbm>>) dst(%arg10 : memref<128x128xf32, #tpu.memory_space<vmem>>)
        %dma_start3A_41 = arith.constant 0 : i32
        %dma_start3A_42 = arith.constant 0 : i32
        %dma_start3A_43 = tpu.memref_slice %arg9[%dma_start3A_41, %dma_start3A_42] : memref<40x128xi32, #tpu.memory_space<vmem>> -> memref<1x128xi32, #tpu.memory_space<vmem>>
        %dma_start3A_44 = tpu.memref_squeeze %dma_start3A_43 : memref<1x128xi32, #tpu.memory_space<vmem>> -> memref<128xi32, #tpu.memory_space<vmem>>
        %dma_start3A_45 = arith.constant 0 : i32
        %dma_start3A_46 = arith.constant 0 : i32
        %dma_start3A_47 = tpu.memref_slice %arg16[%dma_start3A_45, %dma_start3A_46] : memref<10240x128xf32, #tpu.memory_space<vmem_shared>> -> memref<10240x128xf32, #tpu.memory_space<vmem_shared>>
        tpu.enqueue_indirect_dma source(%arg10 : memref<128x128xf32, #tpu.memory_space<vmem>>) target(%dma_start3A_47 : memref<10240x128xf32, #tpu.memory_space<vmem_shared>>) offsets(%dma_start3A_44 : memref<128xi32, #tpu.memory_space<vmem>>) semaphore(%arg14 : memref<!tpu.dma_semaphore, #tpu.memory_space<semaphore_mem>>) {add = true}
        %dma_start3A_48 = arith.constant 1 : i32
        %dma_start3A_49 = arith.constant 0 : i32
        %dma_start3A_50 = tpu.memref_slice %arg8[%dma_start3A_48, %dma_start3A_49] : memref<40x128xi32, #tpu.memory_space<vmem>> -> memref<1x128xi32, #tpu.memory_space<vmem>>
        %dma_start3A_51 = tpu.memref_squeeze %dma_start3A_50 : memref<1x128xi32, #tpu.memory_space<vmem>> -> memref<128xi32, #tpu.memory_space<vmem>>
        %dma_start3A_52 = arith.constant 0 : i32
        %dma_start3A_53 = arith.constant 0 : i32
        %dma_start3A_54 = tpu.memref_slice %arg2[%dma_start3A_52, %dma_start3A_53] : memref<10240x128xf32, #tpu.memory_space<hbm>> -> memref<10240x128xf32, #tpu.memory_space<hbm>>
        tpu.enqueue_indirect_dma source(%dma_start3A_54 : memref<10240x128xf32, #tpu.memory_space<hbm>>) target(%arg11 : memref<128x128xf32, #tpu.memory_space<vmem>>) offsets(%dma_start3A_51 : memref<128xi32, #tpu.memory_space<vmem>>) semaphore(%arg13 : memref<!tpu.dma_semaphore, #tpu.memory_space<semaphore_mem>>)
        %scan3A_55 = arith.constant 0 : i32
        %scan3A_56 = arith.constant 19 : i32
        %scan3A_57 = arith.addi %scan3A_55, %scan3A_56 : i32
        %scan3A_58 = arith.constant 1 : i32
        scf.for %scan3A_88 = %scan3A_55 to %scan3A_57 step %scan3A_58  : i32 {
          %mul3A_89 = arith.constant 1 : i32
          %mul3A_90 = arith.muli %scan3A_88, %mul3A_89 : i32
          %add3A_91 = arith.constant 0 : i32
          %add3A_92 = arith.addi %add3A_91, %mul3A_90 : i32
          %mul3A_93 = arith.constant 2 : i32
          %mul3A_94 = arith.muli %mul3A_93, %add3A_92 : i32
          %add3A_95 = arith.constant 1 : i32
          %add3A_96 = arith.addi %mul3A_94, %add3A_95 : i32
          %dma_wait3A_97 = arith.constant 0 : i32
          %dma_wait3A_98 = tpu.memref_slice %arg8[%add3A_96, %dma_wait3A_97] : memref<40x128xi32, #tpu.memory_space<vmem>> -> memref<1x128xi32, #tpu.memory_space<vmem>>
          %dma_wait3A_99 = tpu.memref_squeeze %dma_wait3A_98 : memref<1x128xi32, #tpu.memory_space<vmem>> -> memref<128xi32, #tpu.memory_space<vmem>>
          %dma_wait3A_100 = arith.constant 0 : i32
          %dma_wait3A_101 = arith.constant 0 : i32
          %dma_wait3A_102 = tpu.memref_slice %arg2[%dma_wait3A_100, %dma_wait3A_101] : memref<10240x128xf32, #tpu.memory_space<hbm>> -> memref<10240x128xf32, #tpu.memory_space<hbm>>
          tpu.wait_indirect_dma semaphore(%arg13 : memref<!tpu.dma_semaphore, #tpu.memory_space<semaphore_mem>>) src(%dma_wait3A_102 : memref<10240x128xf32, #tpu.memory_space<hbm>>) dst(%arg11 : memref<128x128xf32, #tpu.memory_space<vmem>>)
          %dma_start3A_103 = arith.constant 0 : i32
          %dma_start3A_104 = tpu.memref_slice %arg9[%add3A_96, %dma_start3A_103] : memref<40x128xi32, #tpu.memory_space<vmem>> -> memref<1x128xi32, #tpu.memory_space<vmem>>
          %dma_start3A_105 = tpu.memref_squeeze %dma_start3A_104 : memref<1x128xi32, #tpu.memory_space<vmem>> -> memref<128xi32, #tpu.memory_space<vmem>>
          %dma_start3A_106 = arith.constant 0 : i32
          %dma_start3A_107 = arith.constant 0 : i32
          %dma_start3A_108 = tpu.memref_slice %arg16[%dma_start3A_106, %dma_start3A_107] : memref<10240x128xf32, #tpu.memory_space<vmem_shared>> -> memref<10240x128xf32, #tpu.memory_space<vmem_shared>>
          tpu.enqueue_indirect_dma source(%arg11 : memref<128x128xf32, #tpu.memory_space<vmem>>) target(%dma_start3A_108 : memref<10240x128xf32, #tpu.memory_space<vmem_shared>>) offsets(%dma_start3A_105 : memref<128xi32, #tpu.memory_space<vmem>>) semaphore(%arg15 : memref<!tpu.dma_semaphore, #tpu.memory_space<semaphore_mem>>) {add = true}
          %sub3A = arith.constant 1 : i32
          %sub3A_109 = arith.subi %add3A_96, %sub3A : i32
          %dma_wait3A_110 = arith.constant 0 : i32
          %dma_wait3A_111 = tpu.memref_slice %arg9[%sub3A_109, %dma_wait3A_110] : memref<40x128xi32, #tpu.memory_space<vmem>> -> memref<1x128xi32, #tpu.memory_space<vmem>>
          %dma_wait3A_112 = tpu.memref_squeeze %dma_wait3A_111 : memref<1x128xi32, #tpu.memory_space<vmem>> -> memref<128xi32, #tpu.memory_space<vmem>>
          %dma_wait3A_113 = arith.constant 0 : i32
          %dma_wait3A_114 = arith.constant 0 : i32
          %dma_wait3A_115 = tpu.memref_slice %arg16[%dma_wait3A_113, %dma_wait3A_114] : memref<10240x128xf32, #tpu.memory_space<vmem_shared>> -> memref<10240x128xf32, #tpu.memory_space<vmem_shared>>
          tpu.wait_indirect_dma semaphore(%arg14 : memref<!tpu.dma_semaphore, #tpu.memory_space<semaphore_mem>>) src(%arg10 : memref<128x128xf32, #tpu.memory_space<vmem>>) dst(%dma_wait3A_115 : memref<10240x128xf32, #tpu.memory_space<vmem_shared>>)
          %add3A_116 = arith.constant 1 : i32
          %add3A_117 = arith.addi %add3A_96, %add3A_116 : i32
          %dma_start3A_118 = arith.constant 0 : i32
          %dma_start3A_119 = tpu.memref_slice %arg8[%add3A_117, %dma_start3A_118] : memref<40x128xi32, #tpu.memory_space<vmem>> -> memref<1x128xi32, #tpu.memory_space<vmem>>
          %dma_start3A_120 = tpu.memref_squeeze %dma_start3A_119 : memref<1x128xi32, #tpu.memory_space<vmem>> -> memref<128xi32, #tpu.memory_space<vmem>>
          %dma_start3A_121 = arith.constant 0 : i32
          %dma_start3A_122 = arith.constant 0 : i32
          %dma_start3A_123 = tpu.memref_slice %arg2[%dma_start3A_121, %dma_start3A_122] : memref<10240x128xf32, #tpu.memory_space<hbm>> -> memref<10240x128xf32, #tpu.memory_space<hbm>>
          tpu.enqueue_indirect_dma source(%dma_start3A_123 : memref<10240x128xf32, #tpu.memory_space<hbm>>) target(%arg10 : memref<128x128xf32, #tpu.memory_space<vmem>>) offsets(%dma_start3A_120 : memref<128xi32, #tpu.memory_space<vmem>>) semaphore(%arg12 : memref<!tpu.dma_semaphore, #tpu.memory_space<semaphore_mem>>)
          %mul3A_124 = arith.constant 2 : i32
          %mul3A_125 = arith.muli %mul3A_124, %add3A_92 : i32
          %add3A_126 = arith.constant 2 : i32
          %add3A_127 = arith.addi %mul3A_125, %add3A_126 : i32
          %dma_wait3A_128 = arith.constant 0 : i32
          %dma_wait3A_129 = tpu.memref_slice %arg8[%add3A_127, %dma_wait3A_128] : memref<40x128xi32, #tpu.memory_space<vmem>> -> memref<1x128xi32, #tpu.memory_space<vmem>>
          %dma_wait3A_130 = tpu.memref_squeeze %dma_wait3A_129 : memref<1x128xi32, #tpu.memory_space<vmem>> -> memref<128xi32, #tpu.memory_space<vmem>>
          %dma_wait3A_131 = arith.constant 0 : i32
          %dma_wait3A_132 = arith.constant 0 : i32
          %dma_wait3A_133 = tpu.memref_slice %arg2[%dma_wait3A_131, %dma_wait3A_132] : memref<10240x128xf32, #tpu.memory_space<hbm>> -> memref<10240x128xf32, #tpu.memory_space<hbm>>
          tpu.wait_indirect_dma semaphore(%arg12 : memref<!tpu.dma_semaphore, #tpu.memory_space<semaphore_mem>>) src(%dma_wait3A_133 : memref<10240x128xf32, #tpu.memory_space<hbm>>) dst(%arg10 : memref<128x128xf32, #tpu.memory_space<vmem>>)
          %dma_start3A_134 = arith.constant 0 : i32
          %dma_start3A_135 = tpu.memref_slice %arg9[%add3A_127, %dma_start3A_134] : memref<40x128xi32, #tpu.memory_space<vmem>> -> memref<1x128xi32, #tpu.memory_space<vmem>>
          %dma_start3A_136 = tpu.memref_squeeze %dma_start3A_135 : memref<1x128xi32, #tpu.memory_space<vmem>> -> memref<128xi32, #tpu.memory_space<vmem>>
          %dma_start3A_137 = arith.constant 0 : i32
          %dma_start3A_138 = arith.constant 0 : i32
          %dma_start3A_139 = tpu.memref_slice %arg16[%dma_start3A_137, %dma_start3A_138] : memref<10240x128xf32, #tpu.memory_space<vmem_shared>> -> memref<10240x128xf32, #tpu.memory_space<vmem_shared>>
          tpu.enqueue_indirect_dma source(%arg10 : memref<128x128xf32, #tpu.memory_space<vmem>>) target(%dma_start3A_139 : memref<10240x128xf32, #tpu.memory_space<vmem_shared>>) offsets(%dma_start3A_136 : memref<128xi32, #tpu.memory_space<vmem>>) semaphore(%arg14 : memref<!tpu.dma_semaphore, #tpu.memory_space<semaphore_mem>>) {add = true}
          %sub3A_140 = arith.constant 1 : i32
          %sub3A_141 = arith.subi %add3A_127, %sub3A_140 : i32
          %dma_wait3A_142 = arith.constant 0 : i32
          %dma_wait3A_143 = tpu.memref_slice %arg9[%sub3A_141, %dma_wait3A_142] : memref<40x128xi32, #tpu.memory_space<vmem>> -> memref<1x128xi32, #tpu.memory_space<vmem>>
          %dma_wait3A_144 = tpu.memref_squeeze %dma_wait3A_143 : memref<1x128xi32, #tpu.memory_space<vmem>> -> memref<128xi32, #tpu.memory_space<vmem>>
          %dma_wait3A_145 = arith.constant 0 : i32
          %dma_wait3A_146 = arith.constant 0 : i32
          %dma_wait3A_147 = tpu.memref_slice %arg16[%dma_wait3A_145, %dma_wait3A_146] : memref<10240x128xf32, #tpu.memory_space<vmem_shared>> -> memref<10240x128xf32, #tpu.memory_space<vmem_shared>>
          tpu.wait_indirect_dma semaphore(%arg15 : memref<!tpu.dma_semaphore, #tpu.memory_space<semaphore_mem>>) src(%arg11 : memref<128x128xf32, #tpu.memory_space<vmem>>) dst(%dma_wait3A_147 : memref<10240x128xf32, #tpu.memory_space<vmem_shared>>)
          %add3A_148 = arith.constant 1 : i32
          %add3A_149 = arith.addi %add3A_127, %add3A_148 : i32
          %dma_start3A_150 = arith.constant 0 : i32
          %dma_start3A_151 = tpu.memref_slice %arg8[%add3A_149, %dma_start3A_150] : memref<40x128xi32, #tpu.memory_space<vmem>> -> memref<1x128xi32, #tpu.memory_space<vmem>>
          %dma_start3A_152 = tpu.memref_squeeze %dma_start3A_151 : memref<1x128xi32, #tpu.memory_space<vmem>> -> memref<128xi32, #tpu.memory_space<vmem>>
          %dma_start3A_153 = arith.constant 0 : i32
          %dma_start3A_154 = arith.constant 0 : i32
          %dma_start3A_155 = tpu.memref_slice %arg2[%dma_start3A_153, %dma_start3A_154] : memref<10240x128xf32, #tpu.memory_space<hbm>> -> memref<10240x128xf32, #tpu.memory_space<hbm>>
          tpu.enqueue_indirect_dma source(%dma_start3A_155 : memref<10240x128xf32, #tpu.memory_space<hbm>>) target(%arg11 : memref<128x128xf32, #tpu.memory_space<vmem>>) offsets(%dma_start3A_152 : memref<128xi32, #tpu.memory_space<vmem>>) semaphore(%arg13 : memref<!tpu.dma_semaphore, #tpu.memory_space<semaphore_mem>>)
        }
        %scan3A_59 = arith.constant 19 : i32
        %dma_wait3A_60 = arith.constant 39 : i32
        %dma_wait3A_61 = arith.constant 0 : i32
        %dma_wait3A_62 = tpu.memref_slice %arg8[%dma_wait3A_60, %dma_wait3A_61] : memref<40x128xi32, #tpu.memory_space<vmem>> -> memref<1x128xi32, #tpu.memory_space<vmem>>
        %dma_wait3A_63 = tpu.memref_squeeze %dma_wait3A_62 : memref<1x128xi32, #tpu.memory_space<vmem>> -> memref<128xi32, #tpu.memory_space<vmem>>
        %dma_wait3A_64 = arith.constant 0 : i32
        %dma_wait3A_65 = arith.constant 0 : i32
        %dma_wait3A_66 = tpu.memref_slice %arg2[%dma_wait3A_64, %dma_wait3A_65] : memref<10240x128xf32, #tpu.memory_space<hbm>> -> memref<10240x128xf32, #tpu.memory_space<hbm>>
        tpu.wait_indirect_dma semaphore(%arg13 : memref<!tpu.dma_semaphore, #tpu.memory_space<semaphore_mem>>) src(%dma_wait3A_66 : memref<10240x128xf32, #tpu.memory_space<hbm>>) dst(%arg11 : memref<128x128xf32, #tpu.memory_space<vmem>>)
        %dma_start3A_67 = arith.constant 39 : i32
        %dma_start3A_68 = arith.constant 0 : i32
        %dma_start3A_69 = tpu.memref_slice %arg9[%dma_start3A_67, %dma_start3A_68] : memref<40x128xi32, #tpu.memory_space<vmem>> -> memref<1x128xi32, #tpu.memory_space<vmem>>
        %dma_start3A_70 = tpu.memref_squeeze %dma_start3A_69 : memref<1x128xi32, #tpu.memory_space<vmem>> -> memref<128xi32, #tpu.memory_space<vmem>>
        %dma_start3A_71 = arith.constant 0 : i32
        %dma_start3A_72 = arith.constant 0 : i32
        %dma_start3A_73 = tpu.memref_slice %arg16[%dma_start3A_71, %dma_start3A_72] : memref<10240x128xf32, #tpu.memory_space<vmem_shared>> -> memref<10240x128xf32, #tpu.memory_space<vmem_shared>>
        tpu.enqueue_indirect_dma source(%arg11 : memref<128x128xf32, #tpu.memory_space<vmem>>) target(%dma_start3A_73 : memref<10240x128xf32, #tpu.memory_space<vmem_shared>>) offsets(%dma_start3A_70 : memref<128xi32, #tpu.memory_space<vmem>>) semaphore(%arg15 : memref<!tpu.dma_semaphore, #tpu.memory_space<semaphore_mem>>) {add = true}
        %dma_wait3A_74 = arith.constant 38 : i32
        %dma_wait3A_75 = arith.constant 0 : i32
        %dma_wait3A_76 = tpu.memref_slice %arg9[%dma_wait3A_74, %dma_wait3A_75] : memref<40x128xi32, #tpu.memory_space<vmem>> -> memref<1x128xi32, #tpu.memory_space<vmem>>
        %dma_wait3A_77 = tpu.memref_squeeze %dma_wait3A_76 : memref<1x128xi32, #tpu.memory_space<vmem>> -> memref<128xi32, #tpu.memory_space<vmem>>
        %dma_wait3A_78 = arith.constant 0 : i32
        %dma_wait3A_79 = arith.constant 0 : i32
        %dma_wait3A_80 = tpu.memref_slice %arg16[%dma_wait3A_78, %dma_wait3A_79] : memref<10240x128xf32, #tpu.memory_space<vmem_shared>> -> memref<10240x128xf32, #tpu.memory_space<vmem_shared>>
        tpu.wait_indirect_dma semaphore(%arg14 : memref<!tpu.dma_semaphore, #tpu.memory_space<semaphore_mem>>) src(%arg10 : memref<128x128xf32, #tpu.memory_space<vmem>>) dst(%dma_wait3A_80 : memref<10240x128xf32, #tpu.memory_space<vmem_shared>>)
        %dma_wait3A_81 = arith.constant 39 : i32
        %dma_wait3A_82 = arith.constant 0 : i32
        %dma_wait3A_83 = tpu.memref_slice %arg9[%dma_wait3A_81, %dma_wait3A_82] : memref<40x128xi32, #tpu.memory_space<vmem>> -> memref<1x128xi32, #tpu.memory_space<vmem>>
        %dma_wait3A_84 = tpu.memref_squeeze %dma_wait3A_83 : memref<1x128xi32, #tpu.memory_space<vmem>> -> memref<128xi32, #tpu.memory_space<vmem>>
        %dma_wait3A_85 = arith.constant 0 : i32
        %dma_wait3A_86 = arith.constant 0 : i32
        %dma_wait3A_87 = tpu.memref_slice %arg16[%dma_wait3A_85, %dma_wait3A_86] : memref<10240x128xf32, #tpu.memory_space<vmem_shared>> -> memref<10240x128xf32, #tpu.memory_space<vmem_shared>>
        tpu.wait_indirect_dma semaphore(%arg15 : memref<!tpu.dma_semaphore, #tpu.memory_space<semaphore_mem>>) src(%arg11 : memref<128x128xf32, #tpu.memory_space<vmem>>) dst(%dma_wait3A_87 : memref<10240x128xf32, #tpu.memory_space<vmem_shared>>)
      }
      %scan3A_18 = arith.constant 4 : i32
    } else {
    }
    %eq3A_3 = arith.constant 1 : i32
    %eq3A_4 = arith.cmpi eq, %arg0, %eq3A_3 : i32
    %convert_element_type3A_5 = arith.extui %eq3A_4 : i1 to i32
    %cond3A_6 = arith.constant 0 : i32
    %cond3A_7 = arith.cmpi ne, %convert_element_type3A_5, %cond3A_6 : i32
    scf.if %cond3A_7 {
      %scan3A = arith.constant 0 : i32
      %scan3A_15 = arith.constant 4 : i32
      %scan3A_16 = arith.addi %scan3A, %scan3A_15 : i32
      %scan3A_17 = arith.constant 1 : i32
      scf.for %scan3A_19 = %scan3A to %scan3A_16 step %scan3A_17  : i32 {
        %mul3A_20 = arith.constant 1 : i32
        %mul3A_21 = arith.muli %scan3A_19, %mul3A_20 : i32
        %add3A_22 = arith.constant 0 : i32
        %add3A_23 = arith.addi %add3A_22, %mul3A_21 : i32
        %mul3A_24 = arith.constant 160 : i32
        %mul3A_25 = arith.muli %arg1, %mul3A_24 : i32
        %mul3A_26 = arith.constant 40 : i32
        %mul3A_27 = arith.muli %add3A_23, %mul3A_26 : i32
        %add3A_28 = arith.addi %mul3A_25, %mul3A_27 : i32
        "tpu.region"() ({
          %run_scoped3A = tpu.sem_alloc : memref<!tpu.dma_semaphore, #tpu.memory_space<semaphore_mem>>
          %dma_start3A_88 = arith.constant 0 : i32
          %dma_start3A_89 = tpu.memref_slice %arg4[%add3A_28, %dma_start3A_88] : memref<2560x128xi32, #tpu.memory_space<hbm>> -> memref<40x128xi32, #tpu.memory_space<hbm>>
          %dma_start3A_90 = arith.constant 0 : i32
          %dma_start3A_91 = tpu.memref_slice %arg4[%add3A_28, %dma_start3A_90] : memref<2560x128xi32, #tpu.memory_space<hbm>> -> memref<40x128xi32, #tpu.memory_space<hbm>>
          tpu.enqueue_dma source(%dma_start3A_91 : memref<40x128xi32, #tpu.memory_space<hbm>>) target(%arg8 : memref<40x128xi32, #tpu.memory_space<vmem>>) target_semaphore(%run_scoped3A : memref<!tpu.dma_semaphore, #tpu.memory_space<semaphore_mem>>)
          %dma_wait3A_92 = arith.constant 0 : i32
          %dma_wait3A_93 = tpu.memref_slice %arg4[%add3A_28, %dma_wait3A_92] : memref<2560x128xi32, #tpu.memory_space<hbm>> -> memref<40x128xi32, #tpu.memory_space<hbm>>
          %dma_wait3A_94 = arith.constant 0 : i32
          %dma_wait3A_95 = tpu.memref_slice %arg4[%add3A_28, %dma_wait3A_94] : memref<2560x128xi32, #tpu.memory_space<hbm>> -> memref<40x128xi32, #tpu.memory_space<hbm>>
          tpu.wait_dma2 semaphore(%run_scoped3A : memref<!tpu.dma_semaphore, #tpu.memory_space<semaphore_mem>>) src(%dma_wait3A_95 : memref<40x128xi32, #tpu.memory_space<hbm>>) dst(%arg8 : memref<40x128xi32, #tpu.memory_space<vmem>>)
          tpu.yield
        }) : () -> ()
        "tpu.region"() ({
          %run_scoped3A = tpu.sem_alloc : memref<!tpu.dma_semaphore, #tpu.memory_space<semaphore_mem>>
          %dma_start3A_88 = arith.constant 0 : i32
          %dma_start3A_89 = tpu.memref_slice %arg5[%add3A_28, %dma_start3A_88] : memref<2560x128xi32, #tpu.memory_space<hbm>> -> memref<40x128xi32, #tpu.memory_space<hbm>>
          %dma_start3A_90 = arith.constant 0 : i32
          %dma_start3A_91 = tpu.memref_slice %arg5[%add3A_28, %dma_start3A_90] : memref<2560x128xi32, #tpu.memory_space<hbm>> -> memref<40x128xi32, #tpu.memory_space<hbm>>
          tpu.enqueue_dma source(%dma_start3A_91 : memref<40x128xi32, #tpu.memory_space<hbm>>) target(%arg9 : memref<40x128xi32, #tpu.memory_space<vmem>>) target_semaphore(%run_scoped3A : memref<!tpu.dma_semaphore, #tpu.memory_space<semaphore_mem>>)
          %dma_wait3A_92 = arith.constant 0 : i32
          %dma_wait3A_93 = tpu.memref_slice %arg5[%add3A_28, %dma_wait3A_92] : memref<2560x128xi32, #tpu.memory_space<hbm>> -> memref<40x128xi32, #tpu.memory_space<hbm>>
          %dma_wait3A_94 = arith.constant 0 : i32
          %dma_wait3A_95 = tpu.memref_slice %arg5[%add3A_28, %dma_wait3A_94] : memref<2560x128xi32, #tpu.memory_space<hbm>> -> memref<40x128xi32, #tpu.memory_space<hbm>>
          tpu.wait_dma2 semaphore(%run_scoped3A : memref<!tpu.dma_semaphore, #tpu.memory_space<semaphore_mem>>) src(%dma_wait3A_95 : memref<40x128xi32, #tpu.memory_space<hbm>>) dst(%arg9 : memref<40x128xi32, #tpu.memory_space<vmem>>)
          tpu.yield
        }) : () -> ()
        %dma_start3A = arith.constant 0 : i32
        %dma_start3A_29 = arith.constant 0 : i32
        %dma_start3A_30 = tpu.memref_slice %arg8[%dma_start3A, %dma_start3A_29] : memref<40x128xi32, #tpu.memory_space<vmem>> -> memref<1x128xi32, #tpu.memory_space<vmem>>
        %dma_start3A_31 = tpu.memref_squeeze %dma_start3A_30 : memref<1x128xi32, #tpu.memory_space<vmem>> -> memref<128xi32, #tpu.memory_space<vmem>>
        %dma_start3A_32 = arith.constant 0 : i32
        %dma_start3A_33 = arith.constant 0 : i32
        %dma_start3A_34 = tpu.memref_slice %arg3[%dma_start3A_32, %dma_start3A_33] : memref<10240x128xf32, #tpu.memory_space<hbm>> -> memref<10240x128xf32, #tpu.memory_space<hbm>>
        tpu.enqueue_indirect_dma source(%dma_start3A_34 : memref<10240x128xf32, #tpu.memory_space<hbm>>) target(%arg10 : memref<128x128xf32, #tpu.memory_space<vmem>>) offsets(%dma_start3A_31 : memref<128xi32, #tpu.memory_space<vmem>>) semaphore(%arg12 : memref<!tpu.dma_semaphore, #tpu.memory_space<semaphore_mem>>)
        %dma_wait3A = arith.constant 0 : i32
        %dma_wait3A_35 = arith.constant 0 : i32
        %dma_wait3A_36 = tpu.memref_slice %arg8[%dma_wait3A, %dma_wait3A_35] : memref<40x128xi32, #tpu.memory_space<vmem>> -> memref<1x128xi32, #tpu.memory_space<vmem>>
        %dma_wait3A_37 = tpu.memref_squeeze %dma_wait3A_36 : memref<1x128xi32, #tpu.memory_space<vmem>> -> memref<128xi32, #tpu.memory_space<vmem>>
        %dma_wait3A_38 = arith.constant 0 : i32
        %dma_wait3A_39 = arith.constant 0 : i32
        %dma_wait3A_40 = tpu.memref_slice %arg3[%dma_wait3A_38, %dma_wait3A_39] : memref<10240x128xf32, #tpu.memory_space<hbm>> -> memref<10240x128xf32, #tpu.memory_space<hbm>>
        tpu.wait_indirect_dma semaphore(%arg12 : memref<!tpu.dma_semaphore, #tpu.memory_space<semaphore_mem>>) src(%dma_wait3A_40 : memref<10240x128xf32, #tpu.memory_space<hbm>>) dst(%arg10 : memref<128x128xf32, #tpu.memory_space<vmem>>)
        %dma_start3A_41 = arith.constant 0 : i32
        %dma_start3A_42 = arith.constant 0 : i32
        %dma_start3A_43 = tpu.memref_slice %arg9[%dma_start3A_41, %dma_start3A_42] : memref<40x128xi32, #tpu.memory_space<vmem>> -> memref<1x128xi32, #tpu.memory_space<vmem>>
        %dma_start3A_44 = tpu.memref_squeeze %dma_start3A_43 : memref<1x128xi32, #tpu.memory_space<vmem>> -> memref<128xi32, #tpu.memory_space<vmem>>
        %dma_start3A_45 = arith.constant 0 : i32
        %dma_start3A_46 = arith.constant 0 : i32
        %dma_start3A_47 = tpu.memref_slice %arg16[%dma_start3A_45, %dma_start3A_46] : memref<10240x128xf32, #tpu.memory_space<vmem_shared>> -> memref<10240x128xf32, #tpu.memory_space<vmem_shared>>
        tpu.enqueue_indirect_dma source(%arg10 : memref<128x128xf32, #tpu.memory_space<vmem>>) target(%dma_start3A_47 : memref<10240x128xf32, #tpu.memory_space<vmem_shared>>) offsets(%dma_start3A_44 : memref<128xi32, #tpu.memory_space<vmem>>) semaphore(%arg14 : memref<!tpu.dma_semaphore, #tpu.memory_space<semaphore_mem>>) {add = true}
        %dma_start3A_48 = arith.constant 1 : i32
        %dma_start3A_49 = arith.constant 0 : i32
        %dma_start3A_50 = tpu.memref_slice %arg8[%dma_start3A_48, %dma_start3A_49] : memref<40x128xi32, #tpu.memory_space<vmem>> -> memref<1x128xi32, #tpu.memory_space<vmem>>
        %dma_start3A_51 = tpu.memref_squeeze %dma_start3A_50 : memref<1x128xi32, #tpu.memory_space<vmem>> -> memref<128xi32, #tpu.memory_space<vmem>>
        %dma_start3A_52 = arith.constant 0 : i32
        %dma_start3A_53 = arith.constant 0 : i32
        %dma_start3A_54 = tpu.memref_slice %arg3[%dma_start3A_52, %dma_start3A_53] : memref<10240x128xf32, #tpu.memory_space<hbm>> -> memref<10240x128xf32, #tpu.memory_space<hbm>>
        tpu.enqueue_indirect_dma source(%dma_start3A_54 : memref<10240x128xf32, #tpu.memory_space<hbm>>) target(%arg11 : memref<128x128xf32, #tpu.memory_space<vmem>>) offsets(%dma_start3A_51 : memref<128xi32, #tpu.memory_space<vmem>>) semaphore(%arg13 : memref<!tpu.dma_semaphore, #tpu.memory_space<semaphore_mem>>)
        %scan3A_55 = arith.constant 0 : i32
        %scan3A_56 = arith.constant 19 : i32
        %scan3A_57 = arith.addi %scan3A_55, %scan3A_56 : i32
        %scan3A_58 = arith.constant 1 : i32
        scf.for %scan3A_88 = %scan3A_55 to %scan3A_57 step %scan3A_58  : i32 {
          %mul3A_89 = arith.constant 1 : i32
          %mul3A_90 = arith.muli %scan3A_88, %mul3A_89 : i32
          %add3A_91 = arith.constant 0 : i32
          %add3A_92 = arith.addi %add3A_91, %mul3A_90 : i32
          %mul3A_93 = arith.constant 2 : i32
          %mul3A_94 = arith.muli %mul3A_93, %add3A_92 : i32
          %add3A_95 = arith.constant 1 : i32
          %add3A_96 = arith.addi %mul3A_94, %add3A_95 : i32
          %dma_wait3A_97 = arith.constant 0 : i32
          %dma_wait3A_98 = tpu.memref_slice %arg8[%add3A_96, %dma_wait3A_97] : memref<40x128xi32, #tpu.memory_space<vmem>> -> memref<1x128xi32, #tpu.memory_space<vmem>>
          %dma_wait3A_99 = tpu.memref_squeeze %dma_wait3A_98 : memref<1x128xi32, #tpu.memory_space<vmem>> -> memref<128xi32, #tpu.memory_space<vmem>>
          %dma_wait3A_100 = arith.constant 0 : i32
          %dma_wait3A_101 = arith.constant 0 : i32
          %dma_wait3A_102 = tpu.memref_slice %arg3[%dma_wait3A_100, %dma_wait3A_101] : memref<10240x128xf32, #tpu.memory_space<hbm>> -> memref<10240x128xf32, #tpu.memory_space<hbm>>
          tpu.wait_indirect_dma semaphore(%arg13 : memref<!tpu.dma_semaphore, #tpu.memory_space<semaphore_mem>>) src(%dma_wait3A_102 : memref<10240x128xf32, #tpu.memory_space<hbm>>) dst(%arg11 : memref<128x128xf32, #tpu.memory_space<vmem>>)
          %dma_start3A_103 = arith.constant 0 : i32
          %dma_start3A_104 = tpu.memref_slice %arg9[%add3A_96, %dma_start3A_103] : memref<40x128xi32, #tpu.memory_space<vmem>> -> memref<1x128xi32, #tpu.memory_space<vmem>>
          %dma_start3A_105 = tpu.memref_squeeze %dma_start3A_104 : memref<1x128xi32, #tpu.memory_space<vmem>> -> memref<128xi32, #tpu.memory_space<vmem>>
          %dma_start3A_106 = arith.constant 0 : i32
          %dma_start3A_107 = arith.constant 0 : i32
          %dma_start3A_108 = tpu.memref_slice %arg16[%dma_start3A_106, %dma_start3A_107] : memref<10240x128xf32, #tpu.memory_space<vmem_shared>> -> memref<10240x128xf32, #tpu.memory_space<vmem_shared>>
          tpu.enqueue_indirect_dma source(%arg11 : memref<128x128xf32, #tpu.memory_space<vmem>>) target(%dma_start3A_108 : memref<10240x128xf32, #tpu.memory_space<vmem_shared>>) offsets(%dma_start3A_105 : memref<128xi32, #tpu.memory_space<vmem>>) semaphore(%arg15 : memref<!tpu.dma_semaphore, #tpu.memory_space<semaphore_mem>>) {add = true}
          %sub3A = arith.constant 1 : i32
          %sub3A_109 = arith.subi %add3A_96, %sub3A : i32
          %dma_wait3A_110 = arith.constant 0 : i32
          %dma_wait3A_111 = tpu.memref_slice %arg9[%sub3A_109, %dma_wait3A_110] : memref<40x128xi32, #tpu.memory_space<vmem>> -> memref<1x128xi32, #tpu.memory_space<vmem>>
          %dma_wait3A_112 = tpu.memref_squeeze %dma_wait3A_111 : memref<1x128xi32, #tpu.memory_space<vmem>> -> memref<128xi32, #tpu.memory_space<vmem>>
          %dma_wait3A_113 = arith.constant 0 : i32
          %dma_wait3A_114 = arith.constant 0 : i32
          %dma_wait3A_115 = tpu.memref_slice %arg16[%dma_wait3A_113, %dma_wait3A_114] : memref<10240x128xf32, #tpu.memory_space<vmem_shared>> -> memref<10240x128xf32, #tpu.memory_space<vmem_shared>>
          tpu.wait_indirect_dma semaphore(%arg14 : memref<!tpu.dma_semaphore, #tpu.memory_space<semaphore_mem>>) src(%arg10 : memref<128x128xf32, #tpu.memory_space<vmem>>) dst(%dma_wait3A_115 : memref<10240x128xf32, #tpu.memory_space<vmem_shared>>)
          %add3A_116 = arith.constant 1 : i32
          %add3A_117 = arith.addi %add3A_96, %add3A_116 : i32
          %dma_start3A_118 = arith.constant 0 : i32
          %dma_start3A_119 = tpu.memref_slice %arg8[%add3A_117, %dma_start3A_118] : memref<40x128xi32, #tpu.memory_space<vmem>> -> memref<1x128xi32, #tpu.memory_space<vmem>>
          %dma_start3A_120 = tpu.memref_squeeze %dma_start3A_119 : memref<1x128xi32, #tpu.memory_space<vmem>> -> memref<128xi32, #tpu.memory_space<vmem>>
          %dma_start3A_121 = arith.constant 0 : i32
          %dma_start3A_122 = arith.constant 0 : i32
          %dma_start3A_123 = tpu.memref_slice %arg3[%dma_start3A_121, %dma_start3A_122] : memref<10240x128xf32, #tpu.memory_space<hbm>> -> memref<10240x128xf32, #tpu.memory_space<hbm>>
          tpu.enqueue_indirect_dma source(%dma_start3A_123 : memref<10240x128xf32, #tpu.memory_space<hbm>>) target(%arg10 : memref<128x128xf32, #tpu.memory_space<vmem>>) offsets(%dma_start3A_120 : memref<128xi32, #tpu.memory_space<vmem>>) semaphore(%arg12 : memref<!tpu.dma_semaphore, #tpu.memory_space<semaphore_mem>>)
          %mul3A_124 = arith.constant 2 : i32
          %mul3A_125 = arith.muli %mul3A_124, %add3A_92 : i32
          %add3A_126 = arith.constant 2 : i32
          %add3A_127 = arith.addi %mul3A_125, %add3A_126 : i32
          %dma_wait3A_128 = arith.constant 0 : i32
          %dma_wait3A_129 = tpu.memref_slice %arg8[%add3A_127, %dma_wait3A_128] : memref<40x128xi32, #tpu.memory_space<vmem>> -> memref<1x128xi32, #tpu.memory_space<vmem>>
          %dma_wait3A_130 = tpu.memref_squeeze %dma_wait3A_129 : memref<1x128xi32, #tpu.memory_space<vmem>> -> memref<128xi32, #tpu.memory_space<vmem>>
          %dma_wait3A_131 = arith.constant 0 : i32
          %dma_wait3A_132 = arith.constant 0 : i32
          %dma_wait3A_133 = tpu.memref_slice %arg3[%dma_wait3A_131, %dma_wait3A_132] : memref<10240x128xf32, #tpu.memory_space<hbm>> -> memref<10240x128xf32, #tpu.memory_space<hbm>>
          tpu.wait_indirect_dma semaphore(%arg12 : memref<!tpu.dma_semaphore, #tpu.memory_space<semaphore_mem>>) src(%dma_wait3A_133 : memref<10240x128xf32, #tpu.memory_space<hbm>>) dst(%arg10 : memref<128x128xf32, #tpu.memory_space<vmem>>)
          %dma_start3A_134 = arith.constant 0 : i32
          %dma_start3A_135 = tpu.memref_slice %arg9[%add3A_127, %dma_start3A_134] : memref<40x128xi32, #tpu.memory_space<vmem>> -> memref<1x128xi32, #tpu.memory_space<vmem>>
          %dma_start3A_136 = tpu.memref_squeeze %dma_start3A_135 : memref<1x128xi32, #tpu.memory_space<vmem>> -> memref<128xi32, #tpu.memory_space<vmem>>
          %dma_start3A_137 = arith.constant 0 : i32
          %dma_start3A_138 = arith.constant 0 : i32
          %dma_start3A_139 = tpu.memref_slice %arg16[%dma_start3A_137, %dma_start3A_138] : memref<10240x128xf32, #tpu.memory_space<vmem_shared>> -> memref<10240x128xf32, #tpu.memory_space<vmem_shared>>
          tpu.enqueue_indirect_dma source(%arg10 : memref<128x128xf32, #tpu.memory_space<vmem>>) target(%dma_start3A_139 : memref<10240x128xf32, #tpu.memory_space<vmem_shared>>) offsets(%dma_start3A_136 : memref<128xi32, #tpu.memory_space<vmem>>) semaphore(%arg14 : memref<!tpu.dma_semaphore, #tpu.memory_space<semaphore_mem>>) {add = true}
          %sub3A_140 = arith.constant 1 : i32
          %sub3A_141 = arith.subi %add3A_127, %sub3A_140 : i32
          %dma_wait3A_142 = arith.constant 0 : i32
          %dma_wait3A_143 = tpu.memref_slice %arg9[%sub3A_141, %dma_wait3A_142] : memref<40x128xi32, #tpu.memory_space<vmem>> -> memref<1x128xi32, #tpu.memory_space<vmem>>
          %dma_wait3A_144 = tpu.memref_squeeze %dma_wait3A_143 : memref<1x128xi32, #tpu.memory_space<vmem>> -> memref<128xi32, #tpu.memory_space<vmem>>
          %dma_wait3A_145 = arith.constant 0 : i32
          %dma_wait3A_146 = arith.constant 0 : i32
          %dma_wait3A_147 = tpu.memref_slice %arg16[%dma_wait3A_145, %dma_wait3A_146] : memref<10240x128xf32, #tpu.memory_space<vmem_shared>> -> memref<10240x128xf32, #tpu.memory_space<vmem_shared>>
          tpu.wait_indirect_dma semaphore(%arg15 : memref<!tpu.dma_semaphore, #tpu.memory_space<semaphore_mem>>) src(%arg11 : memref<128x128xf32, #tpu.memory_space<vmem>>) dst(%dma_wait3A_147 : memref<10240x128xf32, #tpu.memory_space<vmem_shared>>)
          %add3A_148 = arith.constant 1 : i32
          %add3A_149 = arith.addi %add3A_127, %add3A_148 : i32
          %dma_start3A_150 = arith.constant 0 : i32
          %dma_start3A_151 = tpu.memref_slice %arg8[%add3A_149, %dma_start3A_150] : memref<40x128xi32, #tpu.memory_space<vmem>> -> memref<1x128xi32, #tpu.memory_space<vmem>>
          %dma_start3A_152 = tpu.memref_squeeze %dma_start3A_151 : memref<1x128xi32, #tpu.memory_space<vmem>> -> memref<128xi32, #tpu.memory_space<vmem>>
          %dma_start3A_153 = arith.constant 0 : i32
          %dma_start3A_154 = arith.constant 0 : i32
          %dma_start3A_155 = tpu.memref_slice %arg3[%dma_start3A_153, %dma_start3A_154] : memref<10240x128xf32, #tpu.memory_space<hbm>> -> memref<10240x128xf32, #tpu.memory_space<hbm>>
          tpu.enqueue_indirect_dma source(%dma_start3A_155 : memref<10240x128xf32, #tpu.memory_space<hbm>>) target(%arg11 : memref<128x128xf32, #tpu.memory_space<vmem>>) offsets(%dma_start3A_152 : memref<128xi32, #tpu.memory_space<vmem>>) semaphore(%arg13 : memref<!tpu.dma_semaphore, #tpu.memory_space<semaphore_mem>>)
        }
        %scan3A_59 = arith.constant 19 : i32
        %dma_wait3A_60 = arith.constant 39 : i32
        %dma_wait3A_61 = arith.constant 0 : i32
        %dma_wait3A_62 = tpu.memref_slice %arg8[%dma_wait3A_60, %dma_wait3A_61] : memref<40x128xi32, #tpu.memory_space<vmem>> -> memref<1x128xi32, #tpu.memory_space<vmem>>
        %dma_wait3A_63 = tpu.memref_squeeze %dma_wait3A_62 : memref<1x128xi32, #tpu.memory_space<vmem>> -> memref<128xi32, #tpu.memory_space<vmem>>
        %dma_wait3A_64 = arith.constant 0 : i32
        %dma_wait3A_65 = arith.constant 0 : i32
        %dma_wait3A_66 = tpu.memref_slice %arg3[%dma_wait3A_64, %dma_wait3A_65] : memref<10240x128xf32, #tpu.memory_space<hbm>> -> memref<10240x128xf32, #tpu.memory_space<hbm>>
        tpu.wait_indirect_dma semaphore(%arg13 : memref<!tpu.dma_semaphore, #tpu.memory_space<semaphore_mem>>) src(%dma_wait3A_66 : memref<10240x128xf32, #tpu.memory_space<hbm>>) dst(%arg11 : memref<128x128xf32, #tpu.memory_space<vmem>>)
        %dma_start3A_67 = arith.constant 39 : i32
        %dma_start3A_68 = arith.constant 0 : i32
        %dma_start3A_69 = tpu.memref_slice %arg9[%dma_start3A_67, %dma_start3A_68] : memref<40x128xi32, #tpu.memory_space<vmem>> -> memref<1x128xi32, #tpu.memory_space<vmem>>
        %dma_start3A_70 = tpu.memref_squeeze %dma_start3A_69 : memref<1x128xi32, #tpu.memory_space<vmem>> -> memref<128xi32, #tpu.memory_space<vmem>>
        %dma_start3A_71 = arith.constant 0 : i32
        %dma_start3A_72 = arith.constant 0 : i32
        %dma_start3A_73 = tpu.memref_slice %arg16[%dma_start3A_71, %dma_start3A_72] : memref<10240x128xf32, #tpu.memory_space<vmem_shared>> -> memref<10240x128xf32, #tpu.memory_space<vmem_shared>>
        tpu.enqueue_indirect_dma source(%arg11 : memref<128x128xf32, #tpu.memory_space<vmem>>) target(%dma_start3A_73 : memref<10240x128xf32, #tpu.memory_space<vmem_shared>>) offsets(%dma_start3A_70 : memref<128xi32, #tpu.memory_space<vmem>>) semaphore(%arg15 : memref<!tpu.dma_semaphore, #tpu.memory_space<semaphore_mem>>) {add = true}
        %dma_wait3A_74 = arith.constant 38 : i32
        %dma_wait3A_75 = arith.constant 0 : i32
        %dma_wait3A_76 = tpu.memref_slice %arg9[%dma_wait3A_74, %dma_wait3A_75] : memref<40x128xi32, #tpu.memory_space<vmem>> -> memref<1x128xi32, #tpu.memory_space<vmem>>
        %dma_wait3A_77 = tpu.memref_squeeze %dma_wait3A_76 : memref<1x128xi32, #tpu.memory_space<vmem>> -> memref<128xi32, #tpu.memory_space<vmem>>
        %dma_wait3A_78 = arith.constant 0 : i32
        %dma_wait3A_79 = arith.constant 0 : i32
        %dma_wait3A_80 = tpu.memref_slice %arg16[%dma_wait3A_78, %dma_wait3A_79] : memref<10240x128xf32, #tpu.memory_space<vmem_shared>> -> memref<10240x128xf32, #tpu.memory_space<vmem_shared>>
        tpu.wait_indirect_dma semaphore(%arg14 : memref<!tpu.dma_semaphore, #tpu.memory_space<semaphore_mem>>) src(%arg10 : memref<128x128xf32, #tpu.memory_space<vmem>>) dst(%dma_wait3A_80 : memref<10240x128xf32, #tpu.memory_space<vmem_shared>>)
        %dma_wait3A_81 = arith.constant 39 : i32
        %dma_wait3A_82 = arith.constant 0 : i32
        %dma_wait3A_83 = tpu.memref_slice %arg9[%dma_wait3A_81, %dma_wait3A_82] : memref<40x128xi32, #tpu.memory_space<vmem>> -> memref<1x128xi32, #tpu.memory_space<vmem>>
        %dma_wait3A_84 = tpu.memref_squeeze %dma_wait3A_83 : memref<1x128xi32, #tpu.memory_space<vmem>> -> memref<128xi32, #tpu.memory_space<vmem>>
        %dma_wait3A_85 = arith.constant 0 : i32
        %dma_wait3A_86 = arith.constant 0 : i32
        %dma_wait3A_87 = tpu.memref_slice %arg16[%dma_wait3A_85, %dma_wait3A_86] : memref<10240x128xf32, #tpu.memory_space<vmem_shared>> -> memref<10240x128xf32, #tpu.memory_space<vmem_shared>>
        tpu.wait_indirect_dma semaphore(%arg15 : memref<!tpu.dma_semaphore, #tpu.memory_space<semaphore_mem>>) src(%arg11 : memref<128x128xf32, #tpu.memory_space<vmem>>) dst(%dma_wait3A_87 : memref<10240x128xf32, #tpu.memory_space<vmem_shared>>)
      }
      %scan3A_18 = arith.constant 4 : i32
    } else {
    }
    %barrier3A_8 = arith.constant 0 : index
    tpu.barrier barrier_id(%barrier3A_8)
    %mul3A_9 = arith.constant 640 : i32
    %mul3A_10 = arith.muli %arg1, %mul3A_9 : i32
    %mul3A_11 = arith.constant 10240 : i32
    %mul3A_12 = arith.muli %arg0, %mul3A_11 : i32
    %mul3A_13 = arith.constant 640 : i32
    %mul3A_14 = arith.muli %arg1, %mul3A_13 : i32
    %add3A = arith.addi %mul3A_12, %mul3A_14 : i32
    "tpu.region"() ({
      %run_scoped3A = tpu.sem_alloc : memref<!tpu.dma_semaphore, #tpu.memory_space<semaphore_mem>>
      %dma_start3A = arith.constant 0 : i32
      %dma_start3A_15 = tpu.memref_slice %arg7[%add3A, %dma_start3A] : memref<20480x128xf32, #tpu.memory_space<hbm>> -> memref<640x128xf32, #tpu.memory_space<hbm>>
      %dma_start3A_16 = arith.constant 0 : i32
      %dma_start3A_17 = tpu.memref_slice %arg16[%mul3A_10, %dma_start3A_16] : memref<10240x128xf32, #tpu.memory_space<vmem_shared>> -> memref<640x128xf32, #tpu.memory_space<vmem_shared>>
      tpu.enqueue_dma source(%dma_start3A_17 : memref<640x128xf32, #tpu.memory_space<vmem_shared>>) target(%dma_start3A_15 : memref<640x128xf32, #tpu.memory_space<hbm>>) target_semaphore(%run_scoped3A : memref<!tpu.dma_semaphore, #tpu.memory_space<semaphore_mem>>)
      %dma_wait3A = arith.constant 0 : i32
      %dma_wait3A_18 = tpu.memref_slice %arg7[%add3A, %dma_wait3A] : memref<20480x128xf32, #tpu.memory_space<hbm>> -> memref<640x128xf32, #tpu.memory_space<hbm>>
      %dma_wait3A_19 = arith.constant 0 : i32
      %dma_wait3A_20 = tpu.memref_slice %arg16[%mul3A_10, %dma_wait3A_19] : memref<10240x128xf32, #tpu.memory_space<vmem_shared>> -> memref<640x128xf32, #tpu.memory_space<vmem_shared>>
      tpu.wait_dma2 semaphore(%run_scoped3A : memref<!tpu.dma_semaphore, #tpu.memory_space<semaphore_mem>>) src(%dma_wait3A_20 : memref<640x128xf32, #tpu.memory_space<vmem_shared>>) dst(%dma_wait3A_18 : memref<640x128xf32, #tpu.memory_space<hbm>>)
      tpu.yield
    }) : () -> ()
    return
  }
}

#map = affine_map<(d0, d1) -> (0, 0)>
module attributes {stable_mosaic.version = 14 : i64} {
  func.func @_aggregate_sc(%arg0: i32, %arg1: i32, %arg2: memref<10240x128xf32, #tpu.memory_space<hbm>>, %arg3: memref<2560x128xi32, #tpu.memory_space<hbm>>, %arg4: memref<2560x128xi32, #tpu.memory_space<hbm>>, %arg5: memref<640x128xf32, #tpu.memory_space<hbm>>, %arg6: memref<20480x128xf32, #tpu.memory_space<hbm>>, %arg7: memref<40x128xi32, #tpu.memory_space<vmem>>, %arg8: memref<40x128xi32, #tpu.memory_space<vmem>>, %arg9: memref<128x128xf32, #tpu.memory_space<vmem>>, %arg10: memref<128x128xf32, #tpu.memory_space<vmem>>, %arg11: memref<!tpu.dma_semaphore, #tpu.memory_space<semaphore_mem>>, %arg12: memref<!tpu.dma_semaphore, #tpu.memory_space<semaphore_mem>>, %arg13: memref<!tpu.dma_semaphore, #tpu.memory_space<semaphore_mem>>, %arg14: memref<!tpu.dma_semaphore, #tpu.memory_space<semaphore_mem>>, %arg15: memref<10240x128xf32, #tpu.memory_space<vmem_shared>>) attributes {dimension_semantics = [#tpu.dimension_semantics<core_parallel>, #tpu.dimension_semantics<subcore_parallel>], iteration_bounds = array<i64: 2, 16>, scalar_prefetch = 0 : i64, scratch_operands = 9 : i64, tpu.core_type = #tpu.core_type<sc_vector_subcore>, window_params = [{transform_indices = #map}, {transform_indices = #map}, {transform_indices = #map}, {transform_indices = #map}, {transform_indices = #map}]} {
    %mul3A = arith.constant 16 : i32
    %mul3A_0 = arith.muli %arg0, %mul3A : i32
    %add3A = arith.addi %mul3A_0, %arg1 : i32
    %mul3A_1 = arith.constant 640 : i32
    %mul3A_2 = arith.muli %arg1, %mul3A_1 : i32
    "tpu.region"() ({
      %run_scoped3A = tpu.sem_alloc : memref<!tpu.dma_semaphore, #tpu.memory_space<semaphore_mem>>
      %dma_start3A = arith.constant 0 : i32
      %dma_start3A_15 = tpu.memref_slice %arg15[%mul3A_2, %dma_start3A] : memref<10240x128xf32, #tpu.memory_space<vmem_shared>> -> memref<640x128xf32, #tpu.memory_space<vmem_shared>>
      tpu.enqueue_dma source(%arg5 : memref<640x128xf32, #tpu.memory_space<hbm>>) target(%dma_start3A_15 : memref<640x128xf32, #tpu.memory_space<vmem_shared>>) target_semaphore(%run_scoped3A : memref<!tpu.dma_semaphore, #tpu.memory_space<semaphore_mem>>)
      %dma_wait3A = arith.constant 0 : i32
      %dma_wait3A_16 = tpu.memref_slice %arg15[%mul3A_2, %dma_wait3A] : memref<10240x128xf32, #tpu.memory_space<vmem_shared>> -> memref<640x128xf32, #tpu.memory_space<vmem_shared>>
      tpu.wait_dma2 semaphore(%run_scoped3A : memref<!tpu.dma_semaphore, #tpu.memory_space<semaphore_mem>>) src(%arg5 : memref<640x128xf32, #tpu.memory_space<hbm>>) dst(%dma_wait3A_16 : memref<640x128xf32, #tpu.memory_space<vmem_shared>>)
      tpu.yield
    }) : () -> ()
    %barrier3A = arith.constant 0 : index
    tpu.barrier barrier_id(%barrier3A)
    %scan3A = arith.constant 0 : i32
    %scan3A_3 = arith.constant 2 : i32
    %scan3A_4 = arith.addi %scan3A, %scan3A_3 : i32
    %scan3A_5 = arith.constant 1 : i32
    scf.for %scan3A_15 = %scan3A to %scan3A_4 step %scan3A_5  : i32 {
      %mul3A_16 = arith.constant 1 : i32
      %mul3A_17 = arith.muli %scan3A_15, %mul3A_16 : i32
      %add3A_18 = arith.constant 0 : i32
      %add3A_19 = arith.addi %add3A_18, %mul3A_17 : i32
      %mul3A_20 = arith.constant 80 : i32
      %mul3A_21 = arith.muli %add3A, %mul3A_20 : i32
      %mul3A_22 = arith.constant 40 : i32
      %mul3A_23 = arith.muli %add3A_19, %mul3A_22 : i32
      %add3A_24 = arith.addi %mul3A_21, %mul3A_23 : i32
      "tpu.region"() ({
        %run_scoped3A = tpu.sem_alloc : memref<!tpu.dma_semaphore, #tpu.memory_space<semaphore_mem>>
        %dma_start3A_84 = arith.constant 0 : i32
        %dma_start3A_85 = tpu.memref_slice %arg3[%add3A_24, %dma_start3A_84] : memref<2560x128xi32, #tpu.memory_space<hbm>> -> memref<40x128xi32, #tpu.memory_space<hbm>>
        %dma_start3A_86 = arith.constant 0 : i32
        %dma_start3A_87 = tpu.memref_slice %arg3[%add3A_24, %dma_start3A_86] : memref<2560x128xi32, #tpu.memory_space<hbm>> -> memref<40x128xi32, #tpu.memory_space<hbm>>
        tpu.enqueue_dma source(%dma_start3A_87 : memref<40x128xi32, #tpu.memory_space<hbm>>) target(%arg7 : memref<40x128xi32, #tpu.memory_space<vmem>>) target_semaphore(%run_scoped3A : memref<!tpu.dma_semaphore, #tpu.memory_space<semaphore_mem>>)
        %dma_wait3A_88 = arith.constant 0 : i32
        %dma_wait3A_89 = tpu.memref_slice %arg3[%add3A_24, %dma_wait3A_88] : memref<2560x128xi32, #tpu.memory_space<hbm>> -> memref<40x128xi32, #tpu.memory_space<hbm>>
        %dma_wait3A_90 = arith.constant 0 : i32
        %dma_wait3A_91 = tpu.memref_slice %arg3[%add3A_24, %dma_wait3A_90] : memref<2560x128xi32, #tpu.memory_space<hbm>> -> memref<40x128xi32, #tpu.memory_space<hbm>>
        tpu.wait_dma2 semaphore(%run_scoped3A : memref<!tpu.dma_semaphore, #tpu.memory_space<semaphore_mem>>) src(%dma_wait3A_91 : memref<40x128xi32, #tpu.memory_space<hbm>>) dst(%arg7 : memref<40x128xi32, #tpu.memory_space<vmem>>)
        tpu.yield
      }) : () -> ()
      "tpu.region"() ({
        %run_scoped3A = tpu.sem_alloc : memref<!tpu.dma_semaphore, #tpu.memory_space<semaphore_mem>>
        %dma_start3A_84 = arith.constant 0 : i32
        %dma_start3A_85 = tpu.memref_slice %arg4[%add3A_24, %dma_start3A_84] : memref<2560x128xi32, #tpu.memory_space<hbm>> -> memref<40x128xi32, #tpu.memory_space<hbm>>
        %dma_start3A_86 = arith.constant 0 : i32
        %dma_start3A_87 = tpu.memref_slice %arg4[%add3A_24, %dma_start3A_86] : memref<2560x128xi32, #tpu.memory_space<hbm>> -> memref<40x128xi32, #tpu.memory_space<hbm>>
        tpu.enqueue_dma source(%dma_start3A_87 : memref<40x128xi32, #tpu.memory_space<hbm>>) target(%arg8 : memref<40x128xi32, #tpu.memory_space<vmem>>) target_semaphore(%run_scoped3A : memref<!tpu.dma_semaphore, #tpu.memory_space<semaphore_mem>>)
        %dma_wait3A_88 = arith.constant 0 : i32
        %dma_wait3A_89 = tpu.memref_slice %arg4[%add3A_24, %dma_wait3A_88] : memref<2560x128xi32, #tpu.memory_space<hbm>> -> memref<40x128xi32, #tpu.memory_space<hbm>>
        %dma_wait3A_90 = arith.constant 0 : i32
        %dma_wait3A_91 = tpu.memref_slice %arg4[%add3A_24, %dma_wait3A_90] : memref<2560x128xi32, #tpu.memory_space<hbm>> -> memref<40x128xi32, #tpu.memory_space<hbm>>
        tpu.wait_dma2 semaphore(%run_scoped3A : memref<!tpu.dma_semaphore, #tpu.memory_space<semaphore_mem>>) src(%dma_wait3A_91 : memref<40x128xi32, #tpu.memory_space<hbm>>) dst(%arg8 : memref<40x128xi32, #tpu.memory_space<vmem>>)
        tpu.yield
      }) : () -> ()
      %dma_start3A = arith.constant 0 : i32
      %dma_start3A_25 = arith.constant 0 : i32
      %dma_start3A_26 = tpu.memref_slice %arg7[%dma_start3A, %dma_start3A_25] : memref<40x128xi32, #tpu.memory_space<vmem>> -> memref<1x128xi32, #tpu.memory_space<vmem>>
      %dma_start3A_27 = tpu.memref_squeeze %dma_start3A_26 : memref<1x128xi32, #tpu.memory_space<vmem>> -> memref<128xi32, #tpu.memory_space<vmem>>
      %dma_start3A_28 = arith.constant 0 : i32
      %dma_start3A_29 = arith.constant 0 : i32
      %dma_start3A_30 = tpu.memref_slice %arg2[%dma_start3A_28, %dma_start3A_29] : memref<10240x128xf32, #tpu.memory_space<hbm>> -> memref<10240x128xf32, #tpu.memory_space<hbm>>
      tpu.enqueue_indirect_dma source(%dma_start3A_30 : memref<10240x128xf32, #tpu.memory_space<hbm>>) target(%arg9 : memref<128x128xf32, #tpu.memory_space<vmem>>) offsets(%dma_start3A_27 : memref<128xi32, #tpu.memory_space<vmem>>) semaphore(%arg11 : memref<!tpu.dma_semaphore, #tpu.memory_space<semaphore_mem>>)
      %dma_wait3A = arith.constant 0 : i32
      %dma_wait3A_31 = arith.constant 0 : i32
      %dma_wait3A_32 = tpu.memref_slice %arg7[%dma_wait3A, %dma_wait3A_31] : memref<40x128xi32, #tpu.memory_space<vmem>> -> memref<1x128xi32, #tpu.memory_space<vmem>>
      %dma_wait3A_33 = tpu.memref_squeeze %dma_wait3A_32 : memref<1x128xi32, #tpu.memory_space<vmem>> -> memref<128xi32, #tpu.memory_space<vmem>>
      %dma_wait3A_34 = arith.constant 0 : i32
      %dma_wait3A_35 = arith.constant 0 : i32
      %dma_wait3A_36 = tpu.memref_slice %arg2[%dma_wait3A_34, %dma_wait3A_35] : memref<10240x128xf32, #tpu.memory_space<hbm>> -> memref<10240x128xf32, #tpu.memory_space<hbm>>
      tpu.wait_indirect_dma semaphore(%arg11 : memref<!tpu.dma_semaphore, #tpu.memory_space<semaphore_mem>>) src(%dma_wait3A_36 : memref<10240x128xf32, #tpu.memory_space<hbm>>) dst(%arg9 : memref<128x128xf32, #tpu.memory_space<vmem>>)
      %dma_start3A_37 = arith.constant 0 : i32
      %dma_start3A_38 = arith.constant 0 : i32
      %dma_start3A_39 = tpu.memref_slice %arg8[%dma_start3A_37, %dma_start3A_38] : memref<40x128xi32, #tpu.memory_space<vmem>> -> memref<1x128xi32, #tpu.memory_space<vmem>>
      %dma_start3A_40 = tpu.memref_squeeze %dma_start3A_39 : memref<1x128xi32, #tpu.memory_space<vmem>> -> memref<128xi32, #tpu.memory_space<vmem>>
      %dma_start3A_41 = arith.constant 0 : i32
      %dma_start3A_42 = arith.constant 0 : i32
      %dma_start3A_43 = tpu.memref_slice %arg15[%dma_start3A_41, %dma_start3A_42] : memref<10240x128xf32, #tpu.memory_space<vmem_shared>> -> memref<10240x128xf32, #tpu.memory_space<vmem_shared>>
      tpu.enqueue_indirect_dma source(%arg9 : memref<128x128xf32, #tpu.memory_space<vmem>>) target(%dma_start3A_43 : memref<10240x128xf32, #tpu.memory_space<vmem_shared>>) offsets(%dma_start3A_40 : memref<128xi32, #tpu.memory_space<vmem>>) semaphore(%arg13 : memref<!tpu.dma_semaphore, #tpu.memory_space<semaphore_mem>>) {add = true}
      %dma_start3A_44 = arith.constant 1 : i32
      %dma_start3A_45 = arith.constant 0 : i32
      %dma_start3A_46 = tpu.memref_slice %arg7[%dma_start3A_44, %dma_start3A_45] : memref<40x128xi32, #tpu.memory_space<vmem>> -> memref<1x128xi32, #tpu.memory_space<vmem>>
      %dma_start3A_47 = tpu.memref_squeeze %dma_start3A_46 : memref<1x128xi32, #tpu.memory_space<vmem>> -> memref<128xi32, #tpu.memory_space<vmem>>
      %dma_start3A_48 = arith.constant 0 : i32
      %dma_start3A_49 = arith.constant 0 : i32
      %dma_start3A_50 = tpu.memref_slice %arg2[%dma_start3A_48, %dma_start3A_49] : memref<10240x128xf32, #tpu.memory_space<hbm>> -> memref<10240x128xf32, #tpu.memory_space<hbm>>
      tpu.enqueue_indirect_dma source(%dma_start3A_50 : memref<10240x128xf32, #tpu.memory_space<hbm>>) target(%arg10 : memref<128x128xf32, #tpu.memory_space<vmem>>) offsets(%dma_start3A_47 : memref<128xi32, #tpu.memory_space<vmem>>) semaphore(%arg12 : memref<!tpu.dma_semaphore, #tpu.memory_space<semaphore_mem>>)
      %scan3A_51 = arith.constant 0 : i32
      %scan3A_52 = arith.constant 19 : i32
      %scan3A_53 = arith.addi %scan3A_51, %scan3A_52 : i32
      %scan3A_54 = arith.constant 1 : i32
      scf.for %scan3A_84 = %scan3A_51 to %scan3A_53 step %scan3A_54  : i32 {
        %mul3A_85 = arith.constant 1 : i32
        %mul3A_86 = arith.muli %scan3A_84, %mul3A_85 : i32
        %add3A_87 = arith.constant 0 : i32
        %add3A_88 = arith.addi %add3A_87, %mul3A_86 : i32
        %mul3A_89 = arith.constant 2 : i32
        %mul3A_90 = arith.muli %mul3A_89, %add3A_88 : i32
        %add3A_91 = arith.constant 1 : i32
        %add3A_92 = arith.addi %mul3A_90, %add3A_91 : i32
        %dma_wait3A_93 = arith.constant 0 : i32
        %dma_wait3A_94 = tpu.memref_slice %arg7[%add3A_92, %dma_wait3A_93] : memref<40x128xi32, #tpu.memory_space<vmem>> -> memref<1x128xi32, #tpu.memory_space<vmem>>
        %dma_wait3A_95 = tpu.memref_squeeze %dma_wait3A_94 : memref<1x128xi32, #tpu.memory_space<vmem>> -> memref<128xi32, #tpu.memory_space<vmem>>
        %dma_wait3A_96 = arith.constant 0 : i32
        %dma_wait3A_97 = arith.constant 0 : i32
        %dma_wait3A_98 = tpu.memref_slice %arg2[%dma_wait3A_96, %dma_wait3A_97] : memref<10240x128xf32, #tpu.memory_space<hbm>> -> memref<10240x128xf32, #tpu.memory_space<hbm>>
        tpu.wait_indirect_dma semaphore(%arg12 : memref<!tpu.dma_semaphore, #tpu.memory_space<semaphore_mem>>) src(%dma_wait3A_98 : memref<10240x128xf32, #tpu.memory_space<hbm>>) dst(%arg10 : memref<128x128xf32, #tpu.memory_space<vmem>>)
        %dma_start3A_99 = arith.constant 0 : i32
        %dma_start3A_100 = tpu.memref_slice %arg8[%add3A_92, %dma_start3A_99] : memref<40x128xi32, #tpu.memory_space<vmem>> -> memref<1x128xi32, #tpu.memory_space<vmem>>
        %dma_start3A_101 = tpu.memref_squeeze %dma_start3A_100 : memref<1x128xi32, #tpu.memory_space<vmem>> -> memref<128xi32, #tpu.memory_space<vmem>>
        %dma_start3A_102 = arith.constant 0 : i32
        %dma_start3A_103 = arith.constant 0 : i32
        %dma_start3A_104 = tpu.memref_slice %arg15[%dma_start3A_102, %dma_start3A_103] : memref<10240x128xf32, #tpu.memory_space<vmem_shared>> -> memref<10240x128xf32, #tpu.memory_space<vmem_shared>>
        tpu.enqueue_indirect_dma source(%arg10 : memref<128x128xf32, #tpu.memory_space<vmem>>) target(%dma_start3A_104 : memref<10240x128xf32, #tpu.memory_space<vmem_shared>>) offsets(%dma_start3A_101 : memref<128xi32, #tpu.memory_space<vmem>>) semaphore(%arg14 : memref<!tpu.dma_semaphore, #tpu.memory_space<semaphore_mem>>) {add = true}
        %sub3A = arith.constant 1 : i32
        %sub3A_105 = arith.subi %add3A_92, %sub3A : i32
        %dma_wait3A_106 = arith.constant 0 : i32
        %dma_wait3A_107 = tpu.memref_slice %arg8[%sub3A_105, %dma_wait3A_106] : memref<40x128xi32, #tpu.memory_space<vmem>> -> memref<1x128xi32, #tpu.memory_space<vmem>>
        %dma_wait3A_108 = tpu.memref_squeeze %dma_wait3A_107 : memref<1x128xi32, #tpu.memory_space<vmem>> -> memref<128xi32, #tpu.memory_space<vmem>>
        %dma_wait3A_109 = arith.constant 0 : i32
        %dma_wait3A_110 = arith.constant 0 : i32
        %dma_wait3A_111 = tpu.memref_slice %arg15[%dma_wait3A_109, %dma_wait3A_110] : memref<10240x128xf32, #tpu.memory_space<vmem_shared>> -> memref<10240x128xf32, #tpu.memory_space<vmem_shared>>
        tpu.wait_indirect_dma semaphore(%arg13 : memref<!tpu.dma_semaphore, #tpu.memory_space<semaphore_mem>>) src(%arg9 : memref<128x128xf32, #tpu.memory_space<vmem>>) dst(%dma_wait3A_111 : memref<10240x128xf32, #tpu.memory_space<vmem_shared>>)
        %add3A_112 = arith.constant 1 : i32
        %add3A_113 = arith.addi %add3A_92, %add3A_112 : i32
        %dma_start3A_114 = arith.constant 0 : i32
        %dma_start3A_115 = tpu.memref_slice %arg7[%add3A_113, %dma_start3A_114] : memref<40x128xi32, #tpu.memory_space<vmem>> -> memref<1x128xi32, #tpu.memory_space<vmem>>
        %dma_start3A_116 = tpu.memref_squeeze %dma_start3A_115 : memref<1x128xi32, #tpu.memory_space<vmem>> -> memref<128xi32, #tpu.memory_space<vmem>>
        %dma_start3A_117 = arith.constant 0 : i32
        %dma_start3A_118 = arith.constant 0 : i32
        %dma_start3A_119 = tpu.memref_slice %arg2[%dma_start3A_117, %dma_start3A_118] : memref<10240x128xf32, #tpu.memory_space<hbm>> -> memref<10240x128xf32, #tpu.memory_space<hbm>>
        tpu.enqueue_indirect_dma source(%dma_start3A_119 : memref<10240x128xf32, #tpu.memory_space<hbm>>) target(%arg9 : memref<128x128xf32, #tpu.memory_space<vmem>>) offsets(%dma_start3A_116 : memref<128xi32, #tpu.memory_space<vmem>>) semaphore(%arg11 : memref<!tpu.dma_semaphore, #tpu.memory_space<semaphore_mem>>)
        %mul3A_120 = arith.constant 2 : i32
        %mul3A_121 = arith.muli %mul3A_120, %add3A_88 : i32
        %add3A_122 = arith.constant 2 : i32
        %add3A_123 = arith.addi %mul3A_121, %add3A_122 : i32
        %dma_wait3A_124 = arith.constant 0 : i32
        %dma_wait3A_125 = tpu.memref_slice %arg7[%add3A_123, %dma_wait3A_124] : memref<40x128xi32, #tpu.memory_space<vmem>> -> memref<1x128xi32, #tpu.memory_space<vmem>>
        %dma_wait3A_126 = tpu.memref_squeeze %dma_wait3A_125 : memref<1x128xi32, #tpu.memory_space<vmem>> -> memref<128xi32, #tpu.memory_space<vmem>>
        %dma_wait3A_127 = arith.constant 0 : i32
        %dma_wait3A_128 = arith.constant 0 : i32
        %dma_wait3A_129 = tpu.memref_slice %arg2[%dma_wait3A_127, %dma_wait3A_128] : memref<10240x128xf32, #tpu.memory_space<hbm>> -> memref<10240x128xf32, #tpu.memory_space<hbm>>
        tpu.wait_indirect_dma semaphore(%arg11 : memref<!tpu.dma_semaphore, #tpu.memory_space<semaphore_mem>>) src(%dma_wait3A_129 : memref<10240x128xf32, #tpu.memory_space<hbm>>) dst(%arg9 : memref<128x128xf32, #tpu.memory_space<vmem>>)
        %dma_start3A_130 = arith.constant 0 : i32
        %dma_start3A_131 = tpu.memref_slice %arg8[%add3A_123, %dma_start3A_130] : memref<40x128xi32, #tpu.memory_space<vmem>> -> memref<1x128xi32, #tpu.memory_space<vmem>>
        %dma_start3A_132 = tpu.memref_squeeze %dma_start3A_131 : memref<1x128xi32, #tpu.memory_space<vmem>> -> memref<128xi32, #tpu.memory_space<vmem>>
        %dma_start3A_133 = arith.constant 0 : i32
        %dma_start3A_134 = arith.constant 0 : i32
        %dma_start3A_135 = tpu.memref_slice %arg15[%dma_start3A_133, %dma_start3A_134] : memref<10240x128xf32, #tpu.memory_space<vmem_shared>> -> memref<10240x128xf32, #tpu.memory_space<vmem_shared>>
        tpu.enqueue_indirect_dma source(%arg9 : memref<128x128xf32, #tpu.memory_space<vmem>>) target(%dma_start3A_135 : memref<10240x128xf32, #tpu.memory_space<vmem_shared>>) offsets(%dma_start3A_132 : memref<128xi32, #tpu.memory_space<vmem>>) semaphore(%arg13 : memref<!tpu.dma_semaphore, #tpu.memory_space<semaphore_mem>>) {add = true}
        %sub3A_136 = arith.constant 1 : i32
        %sub3A_137 = arith.subi %add3A_123, %sub3A_136 : i32
        %dma_wait3A_138 = arith.constant 0 : i32
        %dma_wait3A_139 = tpu.memref_slice %arg8[%sub3A_137, %dma_wait3A_138] : memref<40x128xi32, #tpu.memory_space<vmem>> -> memref<1x128xi32, #tpu.memory_space<vmem>>
        %dma_wait3A_140 = tpu.memref_squeeze %dma_wait3A_139 : memref<1x128xi32, #tpu.memory_space<vmem>> -> memref<128xi32, #tpu.memory_space<vmem>>
        %dma_wait3A_141 = arith.constant 0 : i32
        %dma_wait3A_142 = arith.constant 0 : i32
        %dma_wait3A_143 = tpu.memref_slice %arg15[%dma_wait3A_141, %dma_wait3A_142] : memref<10240x128xf32, #tpu.memory_space<vmem_shared>> -> memref<10240x128xf32, #tpu.memory_space<vmem_shared>>
        tpu.wait_indirect_dma semaphore(%arg14 : memref<!tpu.dma_semaphore, #tpu.memory_space<semaphore_mem>>) src(%arg10 : memref<128x128xf32, #tpu.memory_space<vmem>>) dst(%dma_wait3A_143 : memref<10240x128xf32, #tpu.memory_space<vmem_shared>>)
        %add3A_144 = arith.constant 1 : i32
        %add3A_145 = arith.addi %add3A_123, %add3A_144 : i32
        %dma_start3A_146 = arith.constant 0 : i32
        %dma_start3A_147 = tpu.memref_slice %arg7[%add3A_145, %dma_start3A_146] : memref<40x128xi32, #tpu.memory_space<vmem>> -> memref<1x128xi32, #tpu.memory_space<vmem>>
        %dma_start3A_148 = tpu.memref_squeeze %dma_start3A_147 : memref<1x128xi32, #tpu.memory_space<vmem>> -> memref<128xi32, #tpu.memory_space<vmem>>
        %dma_start3A_149 = arith.constant 0 : i32
        %dma_start3A_150 = arith.constant 0 : i32
        %dma_start3A_151 = tpu.memref_slice %arg2[%dma_start3A_149, %dma_start3A_150] : memref<10240x128xf32, #tpu.memory_space<hbm>> -> memref<10240x128xf32, #tpu.memory_space<hbm>>
        tpu.enqueue_indirect_dma source(%dma_start3A_151 : memref<10240x128xf32, #tpu.memory_space<hbm>>) target(%arg10 : memref<128x128xf32, #tpu.memory_space<vmem>>) offsets(%dma_start3A_148 : memref<128xi32, #tpu.memory_space<vmem>>) semaphore(%arg12 : memref<!tpu.dma_semaphore, #tpu.memory_space<semaphore_mem>>)
      }
      %scan3A_55 = arith.constant 19 : i32
      %dma_wait3A_56 = arith.constant 39 : i32
      %dma_wait3A_57 = arith.constant 0 : i32
      %dma_wait3A_58 = tpu.memref_slice %arg7[%dma_wait3A_56, %dma_wait3A_57] : memref<40x128xi32, #tpu.memory_space<vmem>> -> memref<1x128xi32, #tpu.memory_space<vmem>>
      %dma_wait3A_59 = tpu.memref_squeeze %dma_wait3A_58 : memref<1x128xi32, #tpu.memory_space<vmem>> -> memref<128xi32, #tpu.memory_space<vmem>>
      %dma_wait3A_60 = arith.constant 0 : i32
      %dma_wait3A_61 = arith.constant 0 : i32
      %dma_wait3A_62 = tpu.memref_slice %arg2[%dma_wait3A_60, %dma_wait3A_61] : memref<10240x128xf32, #tpu.memory_space<hbm>> -> memref<10240x128xf32, #tpu.memory_space<hbm>>
      tpu.wait_indirect_dma semaphore(%arg12 : memref<!tpu.dma_semaphore, #tpu.memory_space<semaphore_mem>>) src(%dma_wait3A_62 : memref<10240x128xf32, #tpu.memory_space<hbm>>) dst(%arg10 : memref<128x128xf32, #tpu.memory_space<vmem>>)
      %dma_start3A_63 = arith.constant 39 : i32
      %dma_start3A_64 = arith.constant 0 : i32
      %dma_start3A_65 = tpu.memref_slice %arg8[%dma_start3A_63, %dma_start3A_64] : memref<40x128xi32, #tpu.memory_space<vmem>> -> memref<1x128xi32, #tpu.memory_space<vmem>>
      %dma_start3A_66 = tpu.memref_squeeze %dma_start3A_65 : memref<1x128xi32, #tpu.memory_space<vmem>> -> memref<128xi32, #tpu.memory_space<vmem>>
      %dma_start3A_67 = arith.constant 0 : i32
      %dma_start3A_68 = arith.constant 0 : i32
      %dma_start3A_69 = tpu.memref_slice %arg15[%dma_start3A_67, %dma_start3A_68] : memref<10240x128xf32, #tpu.memory_space<vmem_shared>> -> memref<10240x128xf32, #tpu.memory_space<vmem_shared>>
      tpu.enqueue_indirect_dma source(%arg10 : memref<128x128xf32, #tpu.memory_space<vmem>>) target(%dma_start3A_69 : memref<10240x128xf32, #tpu.memory_space<vmem_shared>>) offsets(%dma_start3A_66 : memref<128xi32, #tpu.memory_space<vmem>>) semaphore(%arg14 : memref<!tpu.dma_semaphore, #tpu.memory_space<semaphore_mem>>) {add = true}
      %dma_wait3A_70 = arith.constant 38 : i32
      %dma_wait3A_71 = arith.constant 0 : i32
      %dma_wait3A_72 = tpu.memref_slice %arg8[%dma_wait3A_70, %dma_wait3A_71] : memref<40x128xi32, #tpu.memory_space<vmem>> -> memref<1x128xi32, #tpu.memory_space<vmem>>
      %dma_wait3A_73 = tpu.memref_squeeze %dma_wait3A_72 : memref<1x128xi32, #tpu.memory_space<vmem>> -> memref<128xi32, #tpu.memory_space<vmem>>
      %dma_wait3A_74 = arith.constant 0 : i32
      %dma_wait3A_75 = arith.constant 0 : i32
      %dma_wait3A_76 = tpu.memref_slice %arg15[%dma_wait3A_74, %dma_wait3A_75] : memref<10240x128xf32, #tpu.memory_space<vmem_shared>> -> memref<10240x128xf32, #tpu.memory_space<vmem_shared>>
      tpu.wait_indirect_dma semaphore(%arg13 : memref<!tpu.dma_semaphore, #tpu.memory_space<semaphore_mem>>) src(%arg9 : memref<128x128xf32, #tpu.memory_space<vmem>>) dst(%dma_wait3A_76 : memref<10240x128xf32, #tpu.memory_space<vmem_shared>>)
      %dma_wait3A_77 = arith.constant 39 : i32
      %dma_wait3A_78 = arith.constant 0 : i32
      %dma_wait3A_79 = tpu.memref_slice %arg8[%dma_wait3A_77, %dma_wait3A_78] : memref<40x128xi32, #tpu.memory_space<vmem>> -> memref<1x128xi32, #tpu.memory_space<vmem>>
      %dma_wait3A_80 = tpu.memref_squeeze %dma_wait3A_79 : memref<1x128xi32, #tpu.memory_space<vmem>> -> memref<128xi32, #tpu.memory_space<vmem>>
      %dma_wait3A_81 = arith.constant 0 : i32
      %dma_wait3A_82 = arith.constant 0 : i32
      %dma_wait3A_83 = tpu.memref_slice %arg15[%dma_wait3A_81, %dma_wait3A_82] : memref<10240x128xf32, #tpu.memory_space<vmem_shared>> -> memref<10240x128xf32, #tpu.memory_space<vmem_shared>>
      tpu.wait_indirect_dma semaphore(%arg14 : memref<!tpu.dma_semaphore, #tpu.memory_space<semaphore_mem>>) src(%arg10 : memref<128x128xf32, #tpu.memory_space<vmem>>) dst(%dma_wait3A_83 : memref<10240x128xf32, #tpu.memory_space<vmem_shared>>)
    }
    %scan3A_6 = arith.constant 2 : i32
    %barrier3A_7 = arith.constant 0 : index
    tpu.barrier barrier_id(%barrier3A_7)
    %mul3A_8 = arith.constant 640 : i32
    %mul3A_9 = arith.muli %arg1, %mul3A_8 : i32
    %mul3A_10 = arith.constant 10240 : i32
    %mul3A_11 = arith.muli %arg0, %mul3A_10 : i32
    %mul3A_12 = arith.constant 640 : i32
    %mul3A_13 = arith.muli %arg1, %mul3A_12 : i32
    %add3A_14 = arith.addi %mul3A_11, %mul3A_13 : i32
    "tpu.region"() ({
      %run_scoped3A = tpu.sem_alloc : memref<!tpu.dma_semaphore, #tpu.memory_space<semaphore_mem>>
      %dma_start3A = arith.constant 0 : i32
      %dma_start3A_15 = tpu.memref_slice %arg6[%add3A_14, %dma_start3A] : memref<20480x128xf32, #tpu.memory_space<hbm>> -> memref<640x128xf32, #tpu.memory_space<hbm>>
      %dma_start3A_16 = arith.constant 0 : i32
      %dma_start3A_17 = tpu.memref_slice %arg15[%mul3A_9, %dma_start3A_16] : memref<10240x128xf32, #tpu.memory_space<vmem_shared>> -> memref<640x128xf32, #tpu.memory_space<vmem_shared>>
      tpu.enqueue_dma source(%dma_start3A_17 : memref<640x128xf32, #tpu.memory_space<vmem_shared>>) target(%dma_start3A_15 : memref<640x128xf32, #tpu.memory_space<hbm>>) target_semaphore(%run_scoped3A : memref<!tpu.dma_semaphore, #tpu.memory_space<semaphore_mem>>)
      %dma_wait3A = arith.constant 0 : i32
      %dma_wait3A_18 = tpu.memref_slice %arg6[%add3A_14, %dma_wait3A] : memref<20480x128xf32, #tpu.memory_space<hbm>> -> memref<640x128xf32, #tpu.memory_space<hbm>>
      %dma_wait3A_19 = arith.constant 0 : i32
      %dma_wait3A_20 = tpu.memref_slice %arg15[%mul3A_9, %dma_wait3A_19] : memref<10240x128xf32, #tpu.memory_space<vmem_shared>> -> memref<640x128xf32, #tpu.memory_space<vmem_shared>>
      tpu.wait_dma2 semaphore(%run_scoped3A : memref<!tpu.dma_semaphore, #tpu.memory_space<semaphore_mem>>) src(%dma_wait3A_20 : memref<640x128xf32, #tpu.memory_space<vmem_shared>>) dst(%dma_wait3A_18 : memref<640x128xf32, #tpu.memory_space<hbm>>)
      tpu.yield
    }) : () -> ()
    return
  }
}

module attributes {stable_mosaic.version = 14 : i64} {
  func.func @_scale_body(%arg0: i32, %arg1: memref<256x128xf32, #tpu.memory_space<vmem>>, %arg2: memref<32x256xf32, #tpu.memory_space<vmem>>, %arg3: memref<32x256xf32, #tpu.memory_space<vmem>>, %arg4: memref<256x128xf32, #tpu.memory_space<vmem>>, %arg5: memref<256xf32, #tpu.memory_space<vmem>>, %arg6: memref<256xf32, #tpu.memory_space<vmem>>) attributes {dimension_semantics = [#tpu.dimension_semantics<arbitrary>], iteration_bounds = array<i64: 40>, scalar_prefetch = 0 : i64, scratch_operands = 0 : i64, tpu.core_type = #tpu.core_type<tc>, window_params = [{transform_indices = @transform_0, window_bounds = array<i64: 256, 128>}, {transform_indices = @transform_1, window_bounds = array<i64: 32, 256>}, {transform_indices = @transform_2, window_bounds = array<i64: 32, 256>}, {transform_indices = @transform_3, window_bounds = array<i64: 256, 128>}, {transform_indices = @transform_4, window_bounds = array<i64: 256>}, {transform_indices = @transform_5, window_bounds = array<i64: 256>}]} {
    %get3A = arith.constant 0 : index
    %get3A_0 = arith.constant 0 : index
    %get3A_1 = vector.load %arg2[%get3A, %get3A_0] : memref<32x256xf32, #tpu.memory_space<vmem>>, vector<32x256xf32>
    %reduce_sum3A = arith.constant dense<0.000000e+00> : vector<256xf32>
    %reduce_sum3A_2 = vector.multi_reduction <add>, %get3A_1, %reduce_sum3A [0] : vector<32x256xf32> to vector<256xf32>
    %max3A = arith.constant 1.000000e+00 : f32
    %max3A_3 = vector.broadcast %max3A : f32 to vector<256xf32>
    %max3A_4 = arith.maximumf %reduce_sum3A_2, %max3A_3 : vector<256xf32>
    %rsqrt3A = math.rsqrt %max3A_4 : vector<256xf32>
    %get3A_5 = arith.constant 0 : index
    %get3A_6 = arith.constant 0 : index
    %get3A_7 = vector.load %arg3[%get3A_5, %get3A_6] : memref<32x256xf32, #tpu.memory_space<vmem>>, vector<32x256xf32>
    %reduce_sum3A_8 = arith.constant dense<0.000000e+00> : vector<256xf32>
    %reduce_sum3A_9 = vector.multi_reduction <add>, %get3A_7, %reduce_sum3A_8 [0] : vector<32x256xf32> to vector<256xf32>
    %max3A_10 = arith.constant 1.000000e+00 : f32
    %max3A_11 = vector.broadcast %max3A_10 : f32 to vector<256xf32>
    %max3A_12 = arith.maximumf %reduce_sum3A_9, %max3A_11 : vector<256xf32>
    %rsqrt3A_13 = math.rsqrt %max3A_12 : vector<256xf32>
    %swap3A = arith.constant 0 : index
    %swap3A_14 = vector.load %arg5[%swap3A] : memref<256xf32, #tpu.memory_space<vmem>>, vector<256xf32>
    tpu.vector_store %arg5[%swap3A], %rsqrt3A {strides = array<i32>} : memref<256xf32, #tpu.memory_space<vmem>>, vector<256xf32>,
    %swap3A_15 = arith.constant 0 : index
    %swap3A_16 = vector.load %arg6[%swap3A_15] : memref<256xf32, #tpu.memory_space<vmem>>, vector<256xf32>
    tpu.vector_store %arg6[%swap3A_15], %rsqrt3A_13 {strides = array<i32>} : memref<256xf32, #tpu.memory_space<vmem>>, vector<256xf32>,
    %get3A_17 = arith.constant 0 : index
    %get3A_18 = arith.constant 0 : index
    %get3A_19 = vector.load %arg1[%get3A_17, %get3A_18] : memref<256x128xf32, #tpu.memory_space<vmem>>, vector<256x128xf32>
    %broadcast_in_dim3A = vector.shape_cast %rsqrt3A : vector<256xf32> to vector<256x1xf32>
    %mul3A = vector.broadcast %broadcast_in_dim3A : vector<256x1xf32> to vector<256x128xf32>
    %mul3A_20 = arith.mulf %get3A_19, %mul3A : vector<256x128xf32>
    %swap3A_21 = arith.constant 0 : index
    %swap3A_22 = arith.constant 0 : index
    %swap3A_23 = vector.load %arg4[%swap3A_21, %swap3A_22] : memref<256x128xf32, #tpu.memory_space<vmem>>, vector<256x128xf32>
    tpu.vector_store %arg4[%swap3A_21, %swap3A_22], %mul3A_20 {strides = array<i32>} : memref<256x128xf32, #tpu.memory_space<vmem>>, vector<256x128xf32>,
    return
  }
  func.func @transform_0(%arg0: i32) -> (i32, i32) {
    %c0_i32 = arith.constant 0 : i32
    %c0_i32_0 = arith.constant 0 : i32
    return %arg0, %c0_i32 : i32, i32
  }
  func.func @transform_1(%arg0: i32) -> (i32, i32) {
    %c0_i32 = arith.constant 0 : i32
    %c0_i32_0 = arith.constant 0 : i32
    return %c0_i32, %arg0 : i32, i32
  }
  func.func @transform_2(%arg0: i32) -> (i32, i32) {
    %c1_i32 = arith.constant 1 : i32
    %c0_i32 = arith.constant 0 : i32
    return %c1_i32, %arg0 : i32, i32
  }
  func.func @transform_3(%arg0: i32) -> (i32, i32) {
    %c0_i32 = arith.constant 0 : i32
    %c0_i32_0 = arith.constant 0 : i32
    return %arg0, %c0_i32 : i32, i32
  }
  func.func @transform_4(%arg0: i32) -> i32 {
    %c0_i32 = arith.constant 0 : i32
    return %arg0 : i32
  }
  func.func @transform_5(%arg0: i32) -> i32 {
    %c0_i32 = arith.constant 0 : i32
    return %arg0 : i32
  }
}

module attributes {stable_mosaic.version = 14 : i64} {
  func.func @_mm_body(%arg0: i32, %arg1: memref<1x256x128xf32, #tpu.memory_space<vmem>>, %arg2: memref<1x256x128xf32, #tpu.memory_space<vmem>>, %arg3: memref<256xf32, #tpu.memory_space<vmem>>, %arg4: memref<256xf32, #tpu.memory_space<vmem>>, %arg5: memref<128x512xf32, #tpu.memory_space<vmem>>, %arg6: memref<1x512xf32, #tpu.memory_space<vmem>>, %arg7: memref<512x256xf32, #tpu.memory_space<vmem>>, %arg8: memref<256x128xf32, #tpu.memory_space<vmem>>, %arg9: memref<256x128xf32, #tpu.memory_space<vmem>>) attributes {dimension_semantics = [#tpu.dimension_semantics<arbitrary>], iteration_bounds = array<i64: 40>, scalar_prefetch = 0 : i64, scratch_operands = 0 : i64, tpu.core_type = #tpu.core_type<tc>, window_params = [{transform_indices = @transform_0, window_bounds = array<i64: 1, 256, 128>}, {transform_indices = @transform_1, window_bounds = array<i64: 1, 256, 128>}, {transform_indices = @transform_2, window_bounds = array<i64: 256>}, {transform_indices = @transform_3, window_bounds = array<i64: 256>}, {pipeline_mode = #tpu.pipeline_mode<synchronous>, transform_indices = @transform_4, window_bounds = array<i64: 128, 512>}, {pipeline_mode = #tpu.pipeline_mode<synchronous>, transform_indices = @transform_5, window_bounds = array<i64: 1, 512>}, {pipeline_mode = #tpu.pipeline_mode<synchronous>, transform_indices = @transform_6, window_bounds = array<i64: 512, 256>}, {transform_indices = @transform_7, window_bounds = array<i64: 256, 128>}, {transform_indices = @transform_8, window_bounds = array<i64: 256, 128>}]} {
    %get3A = arith.constant 0 : index
    %get3A_0 = arith.constant 0 : index
    %get3A_1 = arith.constant 0 : index
    %get3A_2 = vector.load %arg1[%get3A, %get3A_0, %get3A_1] : memref<1x256x128xf32, #tpu.memory_space<vmem>>, vector<1x256x128xf32>
    %get3A_3 = vector.shape_cast %get3A_2 : vector<1x256x128xf32> to vector<256x128xf32>
    %get3A_4 = arith.constant 0 : index
    %get3A_5 = arith.constant 0 : index
    %get3A_6 = arith.constant 0 : index
    %get3A_7 = vector.load %arg2[%get3A_4, %get3A_5, %get3A_6] : memref<1x256x128xf32, #tpu.memory_space<vmem>>, vector<1x256x128xf32>
    %get3A_8 = vector.shape_cast %get3A_7 : vector<1x256x128xf32> to vector<256x128xf32>
    %add3A = arith.addf %get3A_3, %get3A_8 : vector<256x128xf32>
    %get3A_9 = arith.constant 0 : index
    %get3A_10 = vector.load %arg3[%get3A_9] : memref<256xf32, #tpu.memory_space<vmem>>, vector<256xf32>
    %broadcast_in_dim3A = vector.shape_cast %get3A_10 : vector<256xf32> to vector<256x1xf32>
    %mul3A = vector.broadcast %broadcast_in_dim3A : vector<256x1xf32> to vector<256x128xf32>
    %mul3A_11 = arith.mulf %add3A, %mul3A : vector<256x128xf32>
    %get3A_12 = arith.constant 0 : index
    %get3A_13 = arith.constant 0 : index
    %get3A_14 = vector.load %arg5[%get3A_12, %get3A_13] : memref<128x512xf32, #tpu.memory_space<vmem>>, vector<128x512xf32>
    %dot_general3A = arith.constant dense<0.000000e+00> : vector<256x512xf32>
    %dot_general3A_15 = tpu.matmul %mul3A_11, %get3A_14, %dot_general3A {dimension_numbers = #tpu.dot_dimension_numbers<[1], [0], [0], [1], [0, 0, 1, 1], [], []>, transpose_lhs_hint = false} : vector<256x128xf32>, vector<128x512xf32>, vector<256x512xf32> -> vector<256x512xf32>
    %get3A_16 = arith.constant 0 : index
    %get3A_17 = arith.constant 0 : index
    %get3A_18 = vector.load %arg6[%get3A_16, %get3A_17] : memref<1x512xf32, #tpu.memory_space<vmem>>, vector<1x512xf32>
    %add3A_19 = vector.broadcast %get3A_18 : vector<1x512xf32> to vector<256x512xf32>
    %add3A_20 = arith.addf %dot_general3A_15, %add3A_19 : vector<256x512xf32>
    %max3A = arith.constant 0.000000e+00 : f32
    %max3A_21 = vector.broadcast %max3A : f32 to vector<256x512xf32>
    %max3A_22 = arith.maximumf %add3A_20, %max3A_21 : vector<256x512xf32>
    %get3A_23 = arith.constant 0 : index
    %get3A_24 = vector.load %arg4[%get3A_23] : memref<256xf32, #tpu.memory_space<vmem>>, vector<256xf32>
    %broadcast_in_dim3A_25 = vector.shape_cast %get3A_24 : vector<256xf32> to vector<256x1xf32>
    %mul3A_26 = vector.broadcast %broadcast_in_dim3A_25 : vector<256x1xf32> to vector<256x512xf32>
    %mul3A_27 = arith.mulf %max3A_22, %mul3A_26 : vector<256x512xf32>
    %get3A_28 = arith.constant 0 : index
    %get3A_29 = arith.constant 0 : index
    %get3A_30 = vector.load %arg7[%get3A_28, %get3A_29] : memref<512x256xf32, #tpu.memory_space<vmem>>, vector<512x256xf32>
    %dot_general3A_31 = arith.constant dense<0.000000e+00> : vector<256x256xf32>
    %dot_general3A_32 = tpu.matmul %mul3A_27, %get3A_30, %dot_general3A_31 {dimension_numbers = #tpu.dot_dimension_numbers<[1], [0], [0], [1], [0, 0, 1, 1], [], []>, transpose_lhs_hint = false} : vector<256x512xf32>, vector<512x256xf32>, vector<256x256xf32> -> vector<256x256xf32>
    %slice3A = vector.extract_strided_slice %dot_general3A_32 {offsets = [0, 0], sizes = [256, 128], strides = [1, 1]} : vector<256x256xf32> to vector<256x128xf32>
    %swap3A = arith.constant 0 : index
    %swap3A_33 = arith.constant 0 : index
    %swap3A_34 = vector.load %arg8[%swap3A, %swap3A_33] : memref<256x128xf32, #tpu.memory_space<vmem>>, vector<256x128xf32>
    tpu.vector_store %arg8[%swap3A, %swap3A_33], %slice3A {strides = array<i32>} : memref<256x128xf32, #tpu.memory_space<vmem>>, vector<256x128xf32>,
    %slice3A_35 = vector.extract_strided_slice %dot_general3A_32 {offsets = [0, 128], sizes = [256, 128], strides = [1, 1]} : vector<256x256xf32> to vector<256x128xf32>
    %swap3A_36 = arith.constant 0 : index
    %swap3A_37 = arith.constant 0 : index
    %swap3A_38 = vector.load %arg9[%swap3A_36, %swap3A_37] : memref<256x128xf32, #tpu.memory_space<vmem>>, vector<256x128xf32>
    tpu.vector_store %arg9[%swap3A_36, %swap3A_37], %slice3A_35 {strides = array<i32>} : memref<256x128xf32, #tpu.memory_space<vmem>>, vector<256x128xf32>,
    return
  }
  func.func @transform_0(%arg0: i32) -> (i32, i32, i32) {
    %c0_i32 = arith.constant 0 : i32
    %c0_i32_0 = arith.constant 0 : i32
    %c0_i32_1 = arith.constant 0 : i32
    return %c0_i32, %arg0, %c0_i32_0 : i32, i32, i32
  }
  func.func @transform_1(%arg0: i32) -> (i32, i32, i32) {
    %c1_i32 = arith.constant 1 : i32
    %c0_i32 = arith.constant 0 : i32
    %c0_i32_0 = arith.constant 0 : i32
    return %c1_i32, %arg0, %c0_i32 : i32, i32, i32
  }
  func.func @transform_2(%arg0: i32) -> i32 {
    %c0_i32 = arith.constant 0 : i32
    return %arg0 : i32
  }
  func.func @transform_3(%arg0: i32) -> i32 {
    %c0_i32 = arith.constant 0 : i32
    return %arg0 : i32
  }
  func.func @transform_4(%arg0: i32) -> (i32, i32) {
    %c0_i32 = arith.constant 0 : i32
    %c0_i32_0 = arith.constant 0 : i32
    %c0_i32_1 = arith.constant 0 : i32
    return %c0_i32, %c0_i32_0 : i32, i32
  }
  func.func @transform_5(%arg0: i32) -> (i32, i32) {
    %c0_i32 = arith.constant 0 : i32
    %c0_i32_0 = arith.constant 0 : i32
    %c0_i32_1 = arith.constant 0 : i32
    return %c0_i32, %c0_i32_0 : i32, i32
  }
  func.func @transform_6(%arg0: i32) -> (i32, i32) {
    %c0_i32 = arith.constant 0 : i32
    %c0_i32_0 = arith.constant 0 : i32
    %c0_i32_1 = arith.constant 0 : i32
    return %c0_i32, %c0_i32_0 : i32, i32
  }
  func.func @transform_7(%arg0: i32) -> (i32, i32) {
    %c0_i32 = arith.constant 0 : i32
    %c0_i32_0 = arith.constant 0 : i32
    return %arg0, %c0_i32 : i32, i32
  }
  func.func @transform_8(%arg0: i32) -> (i32, i32) {
    %c0_i32 = arith.constant 0 : i32
    %c0_i32_0 = arith.constant 0 : i32
    return %arg0, %c0_i32 : i32, i32
  }
}

module attributes {stable_mosaic.version = 14 : i64} {
  func.func @_final_body(%arg0: i32, %arg1: memref<1x256x128xf32, #tpu.memory_space<vmem>>, %arg2: memref<1x256x128xf32, #tpu.memory_space<vmem>>, %arg3: memref<256xf32, #tpu.memory_space<vmem>>, %arg4: memref<1x256xf32, #tpu.memory_space<vmem>>, %arg5: memref<256x128xf32, #tpu.memory_space<vmem>>, %arg6: memref<256x128xf32, #tpu.memory_space<vmem>>) attributes {dimension_semantics = [#tpu.dimension_semantics<arbitrary>], iteration_bounds = array<i64: 40>, scalar_prefetch = 0 : i64, scratch_operands = 0 : i64, tpu.core_type = #tpu.core_type<tc>, window_params = [{transform_indices = @transform_0, window_bounds = array<i64: 1, 256, 128>}, {transform_indices = @transform_1, window_bounds = array<i64: 1, 256, 128>}, {transform_indices = @transform_2, window_bounds = array<i64: 256>}, {pipeline_mode = #tpu.pipeline_mode<synchronous>, transform_indices = @transform_3, window_bounds = array<i64: 1, 256>}, {pipeline_mode = #tpu.pipeline_mode<synchronous>, transform_indices = @transform_4, window_bounds = array<i64: 256, 128>}, {transform_indices = @transform_5, window_bounds = array<i64: 256, 128>}]} {
    %get3A = arith.constant 0 : index
    %get3A_0 = vector.load %arg3[%get3A] : memref<256xf32, #tpu.memory_space<vmem>>, vector<256xf32>
    %broadcast_in_dim3A = vector.shape_cast %get3A_0 : vector<256xf32> to vector<256x1xf32>
    %get3A_1 = arith.constant 0 : index
    %get3A_2 = arith.constant 0 : index
    %get3A_3 = arith.constant 0 : index
    %get3A_4 = vector.load %arg1[%get3A_1, %get3A_2, %get3A_3] : memref<1x256x128xf32, #tpu.memory_space<vmem>>, vector<1x256x128xf32>
    %get3A_5 = vector.shape_cast %get3A_4 : vector<1x256x128xf32> to vector<256x128xf32>
    %mul3A = vector.broadcast %broadcast_in_dim3A : vector<256x1xf32> to vector<256x128xf32>
    %mul3A_6 = arith.mulf %get3A_5, %mul3A : vector<256x128xf32>
    %get3A_7 = arith.constant 0 : index
    %get3A_8 = arith.constant 0 : index
    %get3A_9 = vector.load %arg4[%get3A_7, %get3A_8] : memref<1x256xf32, #tpu.memory_space<vmem>>, vector<1x256xf32>
    %slice3A = vector.extract_strided_slice %get3A_9 {offsets = [0, 0], sizes = [1, 128], strides = [1, 1]} : vector<1x256xf32> to vector<1x128xf32>
    %add3A = vector.broadcast %slice3A : vector<1x128xf32> to vector<256x128xf32>
    %add3A_10 = arith.addf %mul3A_6, %add3A : vector<256x128xf32>
    %get3A_11 = arith.constant 0 : index
    %get3A_12 = arith.constant 0 : index
    %get3A_13 = arith.constant 0 : index
    %get3A_14 = vector.load %arg2[%get3A_11, %get3A_12, %get3A_13] : memref<1x256x128xf32, #tpu.memory_space<vmem>>, vector<1x256x128xf32>
    %get3A_15 = vector.shape_cast %get3A_14 : vector<1x256x128xf32> to vector<256x128xf32>
    %mul3A_16 = vector.broadcast %broadcast_in_dim3A : vector<256x1xf32> to vector<256x128xf32>
    %mul3A_17 = arith.mulf %get3A_15, %mul3A_16 : vector<256x128xf32>
    %get3A_18 = arith.constant 0 : index
    %get3A_19 = arith.constant 0 : index
    %get3A_20 = vector.load %arg4[%get3A_18, %get3A_19] : memref<1x256xf32, #tpu.memory_space<vmem>>, vector<1x256xf32>
    %slice3A_21 = vector.extract_strided_slice %get3A_20 {offsets = [0, 128], sizes = [1, 128], strides = [1, 1]} : vector<1x256xf32> to vector<1x128xf32>
    %add3A_22 = vector.broadcast %slice3A_21 : vector<1x128xf32> to vector<256x128xf32>
    %add3A_23 = arith.addf %mul3A_17, %add3A_22 : vector<256x128xf32>
    %max3A = arith.constant 0.000000e+00 : f32
    %max3A_24 = vector.broadcast %max3A : f32 to vector<256x128xf32>
    %max3A_25 = arith.maximumf %add3A_10, %max3A_24 : vector<256x128xf32>
    %max3A_26 = arith.constant 0.000000e+00 : f32
    %max3A_27 = vector.broadcast %max3A_26 : f32 to vector<256x128xf32>
    %max3A_28 = arith.maximumf %add3A_23, %max3A_27 : vector<256x128xf32>
    %get3A_29 = arith.constant 0 : index
    %get3A_30 = arith.constant 0 : index
    %get3A_31 = vector.load %arg5[%get3A_29, %get3A_30] : memref<256x128xf32, #tpu.memory_space<vmem>>, vector<256x128xf32>
    %slice3A_32 = vector.extract_strided_slice %get3A_31 {offsets = [0, 0], sizes = [128, 128], strides = [1, 1]} : vector<256x128xf32> to vector<128x128xf32>
    %dot_general3A = arith.constant dense<0.000000e+00> : vector<256x128xf32>
    %dot_general3A_33 = tpu.matmul %max3A_25, %slice3A_32, %dot_general3A {dimension_numbers = #tpu.dot_dimension_numbers<[1], [0], [0], [1], [0, 0, 1, 1], [], []>, transpose_lhs_hint = false} : vector<256x128xf32>, vector<128x128xf32>, vector<256x128xf32> -> vector<256x128xf32>
    %get3A_34 = arith.constant 0 : index
    %get3A_35 = arith.constant 0 : index
    %get3A_36 = vector.load %arg5[%get3A_34, %get3A_35] : memref<256x128xf32, #tpu.memory_space<vmem>>, vector<256x128xf32>
    %slice3A_37 = vector.extract_strided_slice %get3A_36 {offsets = [128, 0], sizes = [128, 128], strides = [1, 1]} : vector<256x128xf32> to vector<128x128xf32>
    %dot_general3A_38 = arith.constant dense<0.000000e+00> : vector<256x128xf32>
    %dot_general3A_39 = tpu.matmul %max3A_28, %slice3A_37, %dot_general3A_38 {dimension_numbers = #tpu.dot_dimension_numbers<[1], [0], [0], [1], [0, 0, 1, 1], [], []>, transpose_lhs_hint = false} : vector<256x128xf32>, vector<128x128xf32>, vector<256x128xf32> -> vector<256x128xf32>
    %add3A_40 = arith.addf %dot_general3A_33, %dot_general3A_39 : vector<256x128xf32>
    %swap3A = arith.constant 0 : index
    %swap3A_41 = arith.constant 0 : index
    %swap3A_42 = vector.load %arg6[%swap3A, %swap3A_41] : memref<256x128xf32, #tpu.memory_space<vmem>>, vector<256x128xf32>
    tpu.vector_store %arg6[%swap3A, %swap3A_41], %add3A_40 {strides = array<i32>} : memref<256x128xf32, #tpu.memory_space<vmem>>, vector<256x128xf32>,
    return
  }
  func.func @transform_0(%arg0: i32) -> (i32, i32, i32) {
    %c0_i32 = arith.constant 0 : i32
    %c0_i32_0 = arith.constant 0 : i32
    %c0_i32_1 = arith.constant 0 : i32
    return %c0_i32, %arg0, %c0_i32_0 : i32, i32, i32
  }
  func.func @transform_1(%arg0: i32) -> (i32, i32, i32) {
    %c1_i32 = arith.constant 1 : i32
    %c0_i32 = arith.constant 0 : i32
    %c0_i32_0 = arith.constant 0 : i32
    return %c1_i32, %arg0, %c0_i32 : i32, i32, i32
  }
  func.func @transform_2(%arg0: i32) -> i32 {
    %c0_i32 = arith.constant 0 : i32
    return %arg0 : i32
  }
  func.func @transform_3(%arg0: i32) -> (i32, i32) {
    %c0_i32 = arith.constant 0 : i32
    %c0_i32_0 = arith.constant 0 : i32
    %c0_i32_1 = arith.constant 0 : i32
    return %c0_i32, %c0_i32_0 : i32, i32
  }
  func.func @transform_4(%arg0: i32) -> (i32, i32) {
    %c0_i32 = arith.constant 0 : i32
    %c0_i32_0 = arith.constant 0 : i32
    %c0_i32_1 = arith.constant 0 : i32
    return %c0_i32, %c0_i32_0 : i32, i32
  }
  func.func @transform_5(%arg0: i32) -> (i32, i32) {
    %c0_i32 = arith.constant 0 : i32
    %c0_i32_0 = arith.constant 0 : i32
    return %arg0, %c0_i32 : i32, i32
  }
}

</mosaic_0001>

<sc_bundles>
// kernel: kernel.11.cloned.1.call-start
scs
__scs_entry_jumppad:
0x0: {  	(pc) =	sbr.rel $0x88, $3  }
0x1: {  	(tag) =	ssettag $0x0;
	lr =	simm.s32 $0x1  }
0x2: {  	[smem:$0x3F99] =	sst lr;
	_ =	strace $0xD0000000  }
0x3: {  	_ = 	snop  }
0x4: {  	_ = 	snop  }
0x5: {  	_ = 	snop  }
0x6: {  	_ = 	snop  }
0x7: {  	_ = 	snop  }
__scs_overlays_trampoline_lowered:
0x8: {  	[smem:$0x3FA8] =	sst s0  }
0x9: {  	[smem:$0x3FA9] =	sst s1  }
0xa: {  	[smem:$0x3FAA] =	sst s2  }
0xb: {  	[smem:$0x3FAB] =	sst s3  }
0xc: {  	[smem:$0x3FAC] =	sst s4  }
0xd: {  	[smem:$0x3FAD] =	sst s5  }
0xe: {  	[smem:$0x3FAE] =	sst s6  }
0xf: {  	[smem:$0x3FAF] =	sst s7  }
0x10: {  	[smem:$0x3FB0] =	sst s8  }
0x11: {  	[smem:$0x3FB1] =	sst s9;
	s0 =	simm.s32 @!p0 $0x0  }
0x12: {  	s1 =	sld [smem:$0x3F97];
	s0 =	simm.s32 @p0 $0x1  }
0x13: {  	[smem:$0x3FB2] =	sst s0;
	s0 =	simm.s32 @!p1 $0x0  }
0x14: {  	s2 =	sld [smem:$0x3F96];
	s0 =	simm.s32 @p1 $0x1  }
0x15: {  	[smem:$0x3FB3] =	sst s0;
	s0 =	simm.s32 @!p2 $0x0  }
0x16: {  	s3 =	sld [smem:$0x3FDB];
	s0 =	simm.s32 @p2 $0x1  }
0x17: {  	s4 =	simm.s32 $0x1BF5;
	[smem:$0x3FB5] =	sst s0  }
0x18: {  	s0 =	sld [smem:$0x3F98];
	_ =	swait.ge [sflag:s4], $0x0  }
0x19: {  	s7 =	sld [smem:$0x3F99]  }
0x1a: {  	s8 =	sadd.s32 $0xFFFFE003, lr  }
0x1b: {  	s9 =	sadd.s32 $0xFFFFFEF7, lr;
	s5 =	simm.s32 $0xFFFFFFFF;
	p2 =	slt.u32 s8, $0xFFFFF086  }
0x1c: {  	p1 =	slt.u32 s9, $0xF7A;
	s5 =	simm.s32 @!p2 $0x0  }
0x1d: {  	s5 =	simm.s32 @p1 $0x1;
	p0 =	seq.s32 s7, s2  }
0x1e: {  	s7 =	smul.u32 @!p0 $0xF7A, s2;
	p2 =	seq.s32 @!p0 s5, $0x0  }
0x1f: {  	s9 =	smul.u32 $0xF7A, s1;
	s8 =	simm.s32 @!p0 $0x1BF5;
	p2 =	por !p2, p0  }
0x20: {  	[sflag:s8] =	ssyncset.s32 @!p0 $0xFFFFF086;
	s6 =	sadd.s32 @!p0 s3, s7;
	s7 =	simm.s32 @!p0 $0x108  }
0x21: {  	s3 =	sadd.s32 s3, s9;
	s6 =	sadd.s32 @!p0 $0x88, s6;
	s7 =	simm.s32 @p2 $0x1082  }
0x22: {  	[simem:s7], [sflag:s8] =	dma.local @!p0 [hbm:s6], $0xF7A  }
0x23: {  	s9 =	sor.u32 $0xD0000000, s2;
	s6 =	simm.s32 $0x108;
	_ =	swait.ge @!p0 [sflag:s8], $0x0  }
0x24: {  	s3 =	sadd.s32 $0x88, s3;
	s6 =	simm.s32 @!p1 $0x1082;
	[sflag:s4] =	ssyncset.s32 $0xFFFFF086  }
0x25: {  	[simem:s6], [sflag:s4] =	dma.local [hbm:s3], $0xF7A  }
0x26: {  	[smem:$0x3F99] =	sst s1;
	(tag) =	ssettag s2;
	_ =	strace s9  }
0x27: {  	s1 =	sld [smem:$0x3FA9]  }
0x28: {  	s2 =	sld [smem:$0x3FAA]  }
0x29: {  	s4 =	sld [smem:$0x3FAC]  }
0x2a: {  	p0 =	seq.s32 s5, $0x0;
	s5 =	sld [smem:$0x3FAD]  }
0x2b: {  	s6 =	sld [smem:$0x3FAE]  }
0x2c: {  	s7 =	sld [smem:$0x3FAF]  }
0x2d: {  	s3 =	simm.s32 $0x108;
	s8 =	sld [smem:$0x3FB0]  }
0x2e: {  	s3 =	simm.s32 @!p0 $0x1082;
	s9 =	sld [smem:$0x3FB1]  }
0x2f: {  	lr =	sadd.s32 s0, s3;
	s0 =	sld [smem:$0x3FA8]  }
0x30: {  	s3 =	sld [smem:$0x3FAB]  }
0x31: {  	[smem:$0x3FB4] =	sst s10  }
0x32: {  	s10 =	sld [smem:$0x3FB2];
	_ =	sdelay $0x3  }
0x33: {  	p0 =	seq.s32 s10, $0x1;
	s10 =	sld [smem:$0x3FB4];
	_ =	sdelay $0x3  }
0x34: {  	[smem:$0x3FB4] =	sst s10  }
0x35: {  	s10 =	sld [smem:$0x3FB3];
	_ =	sdelay $0x3  }
0x36: {  	p1 =	seq.s32 s10, $0x1;
	s10 =	sld [smem:$0x3FB4];
	_ =	sdelay $0x3  }
0x37: {  	[smem:$0x3FB4] =	sst s10  }
0x38: {  	s10 =	sld [smem:$0x3FB5]  }
0x39: {  	_ = 	snop;
	(pc) =	sbr.ind lr, $3  }
0x3a: {  	_ = 	snop  }
0x3b: {  	_ = 	snop  }
0x3c: {  	p2 =	seq.s32 s10, $0x1;
	s10 =	sld [smem:$0x3FB4]  }
0x3d: {  	_ =	shalt  }
0x3e: {  	_ =	shalt  }
0x3f: {  	_ =	shalt  }
0x40: {  	_ =	shalt  }
0x41: {  	_ =	shalt  }
0x42: {  	_ =	shalt  }
0x43: {  	_ =	shalt  }
0x44: {  	_ =	shalt  }
0x45: {  	_ =	shalt  }
0x46: {  	_ =	shalt  }
0x47: {  	_ =	shalt  }
0x48: {  	_ =	shalt  }
0x49: {  	_ =	shalt  }
0x4a: {  	_ =	shalt  }
0x4b: {  	_ =	shalt  }
0x4c: {  	_ =	shalt  }
0x4d: {  	_ =	shalt  }
0x4e: {  	_ =	shalt  }
0x4f: {  	_ =	shalt  }
0x50: {  	_ =	shalt  }
0x51: {  	_ =	shalt  }
0x52: {  	_ =	shalt  }
0x53: {  	_ =	shalt  }
0x54: {  	_ =	shalt  }
0x55: {  	_ =	shalt  }
0x56: {  	_ =	shalt  }
0x57: {  	_ =	shalt  }
0x58: {  	_ =	shalt  }
0x59: {  	_ =	shalt  }
0x5a: {  	_ =	shalt  }
0x5b: {  	_ =	shalt  }
0x5c: {  	_ =	shalt  }
0x5d: {  	_ =	shalt  }
0x5e: {  	_ =	shalt  }
0x5f: {  	_ =	shalt  }
0x60: {  	_ =	shalt  }
0x61: {  	_ =	shalt  }
0x62: {  	_ =	shalt  }
0x63: {  	_ =	shalt  }
0x64: {  	_ =	shalt  }
0x65: {  	_ =	shalt  }
0x66: {  	_ =	shalt  }
0x67: {  	_ =	shalt  }
0x68: {  	_ =	shalt  }
0x69: {  	_ =	shalt  }
0x6a: {  	_ =	shalt  }
0x6b: {  	_ =	shalt  }
0x6c: {  	_ =	shalt  }
0x6d: {  	_ =	shalt  }
0x6e: {  	_ =	shalt  }
0x6f: {  	_ =	shalt  }
0x70: {  	_ =	shalt  }
0x71: {  	_ =	shalt  }
0x72: {  	_ =	shalt  }
0x73: {  	_ =	shalt  }
0x74: {  	_ =	shalt  }
0x75: {  	_ =	shalt  }
0x76: {  	_ =	shalt  }
0x77: {  	_ =	shalt  }
0x78: {  	_ =	shalt  }
0x79: {  	_ =	shalt  }
0x7a: {  	_ =	shalt  }
0x7b: {  	_ =	shalt  }
0x7c: {  	_ =	shalt  }
0x7d: {  	_ =	shalt  }
0x7e: {  	_ =	shalt  }
0x7f: {  	_ =	shalt  }
0x80: {  	_ =	shalt  }
0x81: {  	_ =	shalt  }
0x82: {  	_ =	shalt  }
0x83: {  	_ =	shalt  }
0x84: {  	_ =	shalt  }
0x85: {  	_ =	shalt  }
0x86: {  	_ =	shalt  }
0x87: {  	_ =	shalt  }
.Lfunc_end0:
.L_simem_size_0:
called_computation.1_lowered:
.L_overlay_start_0:
0x88: {  	s2 =	sld [smem:$0x3FD9]  }
0x89: {  	s3 =	sld [smem:$0x3FFE];
	_ =	sdelay $0x1  }
0x8a: {  	s1 =	srdreg.scid  }
0x8b: {  	s0 =	sand.u32 $0x1, s1  }
0x8c: {  	s16 =	sshll.u32 s0, $0xA;
	s2 =	sadd.s32 s3, s2  }
0x8d: {  	s2 =	sadd.s32 s2, s16  }
0x8e: {  	[smem:$0x3FC0] =	sst s2  }
0x8f: {  	_ = 	snop  }
0x90: {  	(tm) =	ssettm $0x1  }
0x91: {  	s17 =	sld [smem:$0x3FFB];
	_ =	sdelay $0x3  }
0x92: {  	_ =	strace s17  }
0x93: {  	s2 =	sld [smem:$0x3FFC];
	_ =	sdelay $0x3  }
0x94: {  	_ =	strace s2  }
0x95: {  	s2 =	sld [smem:$0x3FFD];
	_ =	sdelay $0x3  }
0x96: {  	_ =	strace s2  }
0x97: {  	_ =	strace $0x8FFFFFFF  }
0x98: {  	s18 =	sld [smem:$0x3FDB];
	_ =	sdelay $0x1  }
0x99: {  	s19 =	simm.s32 $_scs_section_size  }
0x9a: {  	s4 =	simm.s32 $_size__tile_overlayer_lowered;
	s5 =	simm.s32 $_tile_overlayer_lowered  }
0x9b: {  	s22 =	simm.s32 $0x1BFF;
	s21 =	sshll.u32 s5, $0x1;
	s2 =	sadd.s32 s19, s18  }
0x9c: {  	s6 =	simm.s32 $0x0;
	s20 =	sshll.u32 s4, $0x1;
	s4 =	sadd.s32 s21, s2  }
0x9d: {  	[timem:s6], [sflag:s22] =	dma.local [hbm:s4], s20  }
0x9e: {  	_ =	swait.ge [sflag:s22], s20  }
0x9f: {  	s3 =	ssub.s32 $0x0, s20;
	[sflag:s22] =	ssyncset.done $0x0  }
0xa0: {  	[sflag:s22] =	ssyncadd.s32 s3;
	_ =	sdelay $0x1  }
0xa1: {  	s23 =	simm.s32 $0x1B8B  }
0xa2: {  	_ =	swait.ge [sflag:s23], $0x1  }
0xa3: {  	[sflag:s23] =	ssyncset.done $0x0  }
0xa4: {  	s25 =	simm.s32 $0x1B8E;
	s24 =	sld [smem:$0x3FFE];
	[sflag:s23] =	ssyncadd.s32 $0xFFFFFFFF  }
0xa5: {  	s26 =	simm.s32 $execute0_lowered;
	[smem:$0x3FD2] =	sst s25  }
0xa6: {  	s4 =	sshll.u32 s26, $0x1;
	_ =	strace $0x80000049;
	[dreg:$0x1] =	wrdreg $0xFFFFFFFF  }
0xa7: {  	s28 =	simm.s32 $_size_execute0_lowered;
	s2 =	sadd.s32 s2, s4;
	[dreg:$0x0] =	wrdreg $0x0  }
0xa8: {  	s4 =	sshll.u32 s28, $0x1;
	[dreg:$0x2] =	wrdreg s2  }
0xa9: {  	[dreg:$0x3] =	wrdreg s4  }
0xaa: {  	[dreg:$0x4] =	wrdreg $0xC0  }
0xab: {  	_ =	task [dreg:s6], $0x5FFFF  }
0xac: {  	[dreg:$0x1] =	wrdreg $0xFFFFFFFF  }
0xad: {  	[dreg:$0x0] =	wrdreg $0x60  }
0xae: {  	[dreg:$0x2] =	wrdreg s24  }
0xaf: {  	[dreg:$0x3] =	wrdreg $0xA8000  }
0xb0: {  	[dreg:$0x4] =	wrdreg $0x9  }
0xb1: {  	_ =	task.clear_ibuf [dreg:s6], $0x5FFFF;
	_ =	strace $0x90000049  }
0xb2: {  	s29 =	simm.s32 $0x9;
	_ =	strace $0x8000004B  }
0xb3: {  	_ =	swait.ge [sflag:s29], $0x1  }
0xb4: {  	[sflag:s29] =	ssyncadd.s32 $0xFFFFFFFF  }
0xb5: {  	_ =	strace $0x9000004B  }
0xb6: {  	_ =	sfence  }
0xb7: {  	s30 =	sld [smem:$0x0];
	_ =	sdelay $0x2  }
0xb8: {  	s31 =	sshll.u32 s1, $0xD;
	s1 =	sshrl.u32 s1, $0x2  }
0xb9: {  	s3 =	sand.u32 $0x4000, s31;
	s1 =	sadd.s32 s1, s30  }
0xba: {  	s0 =	sor.u32 s3, s0;
	s1 =	sshll.u32 s1, $0x11  }
0xbb: {  	s0 =	sor.u32 s1, s0  }
0xbc: {  	s0 =	sadd.s32 $0x8F2B, s0  }
0xbd: {  	[sflag:s0] =	ssyncadd.remote.s32 $0x1  }
0xbe: {  	_ =	sfence.sel $0xFFFF  }
0xbf: {  	[dreg:$0x0] =	wrdreg $0xFFFFFFFF;
	(pc) =	sbr.abs _section_cstart, $3  }
0xc0: {  	[dreg:$0x1] =	wrdreg $0xFFFFFFFF  }
0xc1: {  	_ =	task.clear_ibuf [dreg:s6], $0x2FFFF;
	_ =	strace $0x9FFFFFFF  }
0xc2: {  	(tm) =	ssettm $0x7FFFFFFF  }
0xc3: {  	_ =	shalt  }
tec
execute0_lowered:
.L_overlay_start_1:
0x0: {  	(tag) =	ssettag $0x1  }
0x1: {  	s6 =	rddreg [dreg:$0x0]  }
0x2: {  	s2 =	rddreg [dreg:$0x1]  }
0x3: {  	s0 =	rddreg [dreg:$0x2];
	s3 =	simm.s32 $0x0;
	s4 =	srdreg.scid  }
0x4: {  	s1 =	stileid.u32;
	s16 =	simm.s32 $0x80;
	s17 =	simm.s32 $0x2800  }
0x5: {  	s18 =	simm.s32 $0x1;
	s19 =	simm.s32 $0x6800;
	s20 =	simm.s32 $0x2  }
0x6: {  	s21 =	simm.s32 $0x3;
	s22 =	simm.s32 $0x4;
	s23 =	simm.s32 $0x2780  }
0x7: {  	s24 =	simm.s32 $0x0;
	[smem:$0x7FF] =	sst s3;
	s7 =	sand.u32 $0x1, s4  }
0x8: {  	s8 =	smul.u32 $0x2800, s1;
	s4 =	sadd.s32 $0x16600, s6;
	s11 =	sadd.s32 $0xC600, s6  }
0x9: {  	s12 =	sadd.s32 $0x2600, s6;
	s5 =	sadd.s32 $0x3E600, s6;
	s13 =	smul.u32 $0x50000, s1  }
0xa: {  	s30 =	sshll.u32 s1, $0x6;
	s9 =	smul.u32 $0x28000, s7;
	s26 =	ssub.s32 $0x2, s7  }
0xb: {  	_ =	strace $0x8000004A;
	s7 =	sshll.u32 s7, $0x4;
	s10 =	sshrl.u32 s26, $0x1  }
0xc: {  	s28 =	sor.u32 s1, s7;
	s29 =	sshrl.u32 s13, $0x2;
	s8 =	sadd.s32 s8, s9  }
0xd: {  	s9 =	ssub.s32 s26, s10;
	s31 =	smul.u32 $0x500, s28;
	s14 =	sadd.s32 s29, s2  }
0xe: {  	s8 =	sadd.s32 s8, s6;
	s6 =	sor.u32 $0x1C05, s30;
	s13 =	sshrl.u32 s14, $0x3  }
0xf: {  	s14 =	simm.s32 $0x5;
	s7 =	sadd.s32 $0x40E00, s8;
	s8 =	smax.u32 s9, $0x1  }
0x10: {  	s9 =	sadd.s32 s11, s31;
	s15 =	sadd.s32 $0x280, s31;
	s10 =	sadd.s32 s12, s31  }
0x11: {  	s11 =	sadd.s32 s11, s15;
	s12 =	sadd.s32 s12, s15;
	s15 =	simm.s32 $0x1400  }
.LBB2_1:
0x12: {  	[spmem:s13], [sflag:s6] =	dma.local [hbm:s5], $0x2800  }
0x13: {  	_ =	swait.ge [sflag:s14], $0x2800  }
0x14: {  	[sflag:s14] =	ssyncset.done $0x0  }
0x15: {  	[sflag:s14] =	ssyncadd.s32 $0xFFFFD800  }
0x16: {  	[bflag:$0x0] =	sbarrier.arrive $0xFFFF  }
0x17: {  	[tilespmem:s3], [sflag:$0x5] =	stream.linear.gather [hbm4b:s9+s3], $0x1400, $0x38;
	[tilespmem:$0x1E800] =	vst v63  }
0x18: {  	_ =	swait.ge [sflag:s14], $0x1400  }
0x19: {  	[sflag:s14] =	ssyncset.done $0x0  }
0x1a: {  	[sflag:s14] =	ssyncadd.s32 $0xFFFFEC00  }
0x1b: {  	[tilespmem:s15], [sflag:$0x5] =	stream.linear.gather [hbm4b:s10+s3], $0x1400, $0x38;
	[tilespmem:$0x1E800] =	vst v63  }
0x1c: {  	_ =	swait.ge [sflag:s14], $0x1400  }
0x1d: {  	[sflag:s14] =	ssyncset.done $0x0  }
0x1e: {  	[sflag:s14] =	ssyncadd.s32 $0xFFFFEC00  }
0x1f: {  	[tilespmem:s17], [sflag:$0x1] =	stream.indirect.gather [hbm4b:s4+s16], $0x80, s3, s16, $0xb8;
	[tilespmem:$0x1E800] =	vst v63  }
0x20: {  	_ =	swait.ge [sflag:s18], $0x4000  }
0x21: {  	[sflag:s18] =	ssyncset.done $0x0  }
0x22: {  	[sflag:s18] =	ssyncadd.s32 $0xFFFFC000  }
0x23: {  	[spmem:s2] =	stream.indirect.scatter.add.f32 [tilespmem:s17], [sflag:$0x3], $0x80, s15, s16, $0xb8;
	[tilespmem:$0x1E800] =	vst v63  }
0x24: {  	_ = 	snop  }
0x25: {  	[tilespmem:s19], [sflag:$0x2] =	stream.indirect.gather [hbm4b:s4+s16], $0x80, s16, s16, $0xb8;
	[tilespmem:$0x1E800] =	vst v63  }
0x26: {  	_ =	swait.ge [sflag:s20], $0x4000  }
0x27: {  	[sflag:s20] =	ssyncset.done $0x0  }
0x28: {  	s25 =	simm.s32 $0x1480;
	[sflag:s20] =	ssyncadd.s32 $0xFFFFC000  }
0x29: {  	[spmem:s2] =	stream.indirect.scatter.add.f32 [tilespmem:s19], [sflag:$0x4], $0x80, s25, s16, $0xb8;
	[tilespmem:$0x1E800] =	vst v63  }
0x2a: {  	_ =	swait.ge [sflag:s21], $0x4000  }
0x2b: {  	[sflag:s21] =	ssyncset.done $0x0  }
0x2c: {  	s30 =	simm.s32 $0x100;
	[sflag:s21] =	ssyncadd.s32 $0xFFFFC000  }
0x2d: {  	[tilespmem:s17], [sflag:$0x1] =	stream.indirect.gather [hbm4b:s4+s16], $0x80, s30, s16, $0xb8;
	[tilespmem:$0x1E800] =	vst v63  }
0x2e: {  	_ =	swait.ge [sflag:s18], $0x4000  }
0x2f: {  	[sflag:s18] =	ssyncset.done $0x0  }
0x30: {  	s31 =	simm.s32 $0x1500;
	[sflag:s18] =	ssyncadd.s32 $0xFFFFC000  }
0x31: {  	[spmem:s2] =	stream.indirect.scatter.add.f32 [tilespmem:s17], [sflag:$0x3], $0x80, s31, s16, $0xb8;
	[tilespmem:$0x1E800] =	vst v63  }
0x32: {  	_ =	swait.ge [sflag:s22], $0x4000  }
0x33: {  	[sflag:s22] =	ssyncset.done $0x0  }
0x34: {  	s26 =	simm.s32 $0x180;
	s25 =	simm.s32 $0xFFFFB800;
	[sflag:s22] =	ssyncadd.s32 $0xFFFFC000  }
.LBB2_2:
0x35: {  	[tilespmem:s19], [sflag:$0x2] =	stream.indirect.gather [hbm4b:s4+s16], $0x80, s26, s16, $0xb8;
	[tilespmem:$0x1E800] =	vst v63  }
0x36: {  	s26 =	smov.u32 s25  }
0x37: {  	p0 =	sne.s32 s25, $0xFFFFFC00;
	s25 =	sadd.s32 $0x400, s25;
	_ =	swait.ge [sflag:s20], $0x4000  }
0x38: {  	s26 =	sshra.s32 s26, $0x2;
	[sflag:s20] =	ssyncset.done $0x0  }
0x39: {  	s28 =	sadd.s32 $0x2780, s26;
	[sflag:s20] =	ssyncadd.s32 $0xFFFFC000  }
0x3a: {  	[spmem:s2] =	stream.indirect.scatter.add.f32 [tilespmem:s19], [sflag:$0x4], $0x80, s28, s16, $0xb8;
	[tilespmem:$0x1E800] =	vst v63  }
0x3b: {  	_ =	swait.ge [sflag:s21], $0x4000  }
0x3c: {  	[sflag:s21] =	ssyncset.done $0x0  }
0x3d: {  	s28 =	sadd.s32 $0x1400, s26;
	[sflag:s21] =	ssyncadd.s32 $0xFFFFC000  }
0x3e: {  	[tilespmem:s17], [sflag:$0x1] =	stream.indirect.gather [hbm4b:s4+s16], $0x80, s28, s16, $0xb8;
	[tilespmem:$0x1E800] =	vst v63  }
0x3f: {  	_ =	swait.ge [sflag:s18], $0x4000  }
0x40: {  	[sflag:s18] =	ssyncset.done $0x0  }
.Ltmp0:
0x41: {  	s28 =	sadd.s32 $0x2800, s26;
	[sflag:s18] =	ssyncadd.s32 $0xFFFFC000;
	(pc) =	sbr.rel @p0 .LBB2_2-.Ltmp0, $4  }
0x42: {  	[spmem:s2] =	stream.indirect.scatter.add.f32 [tilespmem:s17], [sflag:$0x3], $0x80, s28, s16, $0xb8;
	[tilespmem:$0x1E800] =	vst v63  }
0x43: {  	_ =	swait.ge [sflag:s22], $0x4000  }
0x44: {  	[sflag:s22] =	ssyncset.done $0x0  }
0x45: {  	s26 =	sadd.s32 $0x1480, s26;
	[sflag:s22] =	ssyncadd.s32 $0xFFFFC000  }
0x46: {  	[tilespmem:s19], [sflag:$0x2] =	stream.indirect.gather [hbm4b:s4+s16], $0x80, s26, s16, $0xb8;
	[tilespmem:$0x1E800] =	vst v63  }
0x47: {  	_ =	swait.ge [sflag:s20], $0x4000  }
0x48: {  	[sflag:s20] =	ssyncset.done $0x0  }
0x49: {  	[sflag:s20] =	ssyncadd.s32 $0xFFFFC000  }
0x4a: {  	[spmem:s2] =	stream.indirect.scatter.add.f32 [tilespmem:s19], [sflag:$0x4], $0x80, s23, s16, $0xb8;
	[tilespmem:$0x1E800] =	vst v63  }
0x4b: {  	_ =	swait.ge [sflag:s21], $0x4000  }
0x4c: {  	[sflag:s21] =	ssyncset.done $0x0  }
0x4d: {  	[sflag:s21] =	ssyncadd.s32 $0xFFFFC000  }
0x4e: {  	_ =	swait.ge [sflag:s22], $0x4000  }
0x4f: {  	[sflag:s22] =	ssyncset.done $0x0  }
0x50: {  	[sflag:s22] =	ssyncadd.s32 $0xFFFFC000  }
0x51: {  	[tilespmem:s3], [sflag:$0x5] =	stream.linear.gather [hbm4b:s11+s3], $0x1400, $0x38;
	[tilespmem:$0x1E800] =	vst v63  }
0x52: {  	_ =	swait.ge [sflag:s14], $0x1400  }
0x53: {  	[sflag:s14] =	ssyncset.done $0x0  }
0x54: {  	[sflag:s14] =	ssyncadd.s32 $0xFFFFEC00  }
0x55: {  	[tilespmem:s15], [sflag:$0x5] =	stream.linear.gather [hbm4b:s12+s3], $0x1400, $0x38;
	[tilespmem:$0x1E800] =	vst v63  }
0x56: {  	_ =	swait.ge [sflag:s14], $0x1400  }
0x57: {  	[sflag:s14] =	ssyncset.done $0x0  }
0x58: {  	[sflag:s14] =	ssyncadd.s32 $0xFFFFEC00  }
0x59: {  	[tilespmem:s17], [sflag:$0x1] =	stream.indirect.gather [hbm4b:s4+s16], $0x80, s3, s16, $0xb8;
	[tilespmem:$0x1E800] =	vst v63  }
0x5a: {  	_ =	swait.ge [sflag:s18], $0x4000  }
0x5b: {  	[sflag:s18] =	ssyncset.done $0x0  }
0x5c: {  	[sflag:s18] =	ssyncadd.s32 $0xFFFFC000  }
0x5d: {  	[spmem:s2] =	stream.indirect.scatter.add.f32 [tilespmem:s17], [sflag:$0x3], $0x80, s15, s16, $0xb8;
	[tilespmem:$0x1E800] =	vst v63  }
0x5e: {  	_ = 	snop  }
0x5f: {  	[tilespmem:s19], [sflag:$0x2] =	stream.indirect.gather [hbm4b:s4+s16], $0x80, s16, s16, $0xb8;
	[tilespmem:$0x1E800] =	vst v63  }
0x60: {  	_ =	swait.ge [sflag:s20], $0x4000  }
0x61: {  	[sflag:s20] =	ssyncset.done $0x0  }
0x62: {  	s25 =	simm.s32 $0x1480;
	[sflag:s20] =	ssyncadd.s32 $0xFFFFC000  }
0x63: {  	[spmem:s2] =	stream.indirect.scatter.add.f32 [tilespmem:s19], [sflag:$0x4], $0x80, s25, s16, $0xb8;
	[tilespmem:$0x1E800] =	vst v63  }
0x64: {  	_ =	swait.ge [sflag:s21], $0x4000  }
0x65: {  	[sflag:s21] =	ssyncset.done $0x0  }
0x66: {  	s30 =	simm.s32 $0x100;
	[sflag:s21] =	ssyncadd.s32 $0xFFFFC000  }
0x67: {  	[tilespmem:s17], [sflag:$0x1] =	stream.indirect.gather [hbm4b:s4+s16], $0x80, s30, s16, $0xb8;
	[tilespmem:$0x1E800] =	vst v63  }
0x68: {  	_ =	swait.ge [sflag:s18], $0x4000  }
0x69: {  	[sflag:s18] =	ssyncset.done $0x0  }
0x6a: {  	s31 =	simm.s32 $0x1500;
	[sflag:s18] =	ssyncadd.s32 $0xFFFFC000  }
0x6b: {  	[spmem:s2] =	stream.indirect.scatter.add.f32 [tilespmem:s17], [sflag:$0x3], $0x80, s31, s16, $0xb8;
	[tilespmem:$0x1E800] =	vst v63  }
0x6c: {  	_ =	swait.ge [sflag:s22], $0x4000  }
0x6d: {  	[sflag:s22] =	ssyncset.done $0x0  }
0x6e: {  	s26 =	simm.s32 $0x180;
	s25 =	simm.s32 $0xFFFFB800;
	[sflag:s22] =	ssyncadd.s32 $0xFFFFC000  }
.LBB2_4:
0x6f: {  	[tilespmem:s19], [sflag:$0x2] =	stream.indirect.gather [hbm4b:s4+s16], $0x80, s26, s16, $0xb8;
	[tilespmem:$0x1E800] =	vst v63  }
0x70: {  	s26 =	smov.u32 s25  }
0x71: {  	p0 =	sne.s32 s25, $0xFFFFFC00;
	s25 =	sadd.s32 $0x400, s25;
	_ =	swait.ge [sflag:s20], $0x4000  }
0x72: {  	s26 =	sshra.s32 s26, $0x2;
	[sflag:s20] =	ssyncset.done $0x0  }
0x73: {  	s28 =	sadd.s32 $0x2780, s26;
	[sflag:s20] =	ssyncadd.s32 $0xFFFFC000  }
0x74: {  	[spmem:s2] =	stream.indirect.scatter.add.f32 [tilespmem:s19], [sflag:$0x4], $0x80, s28, s16, $0xb8;
	[tilespmem:$0x1E800] =	vst v63  }
0x75: {  	_ =	swait.ge [sflag:s21], $0x4000  }
0x76: {  	[sflag:s21] =	ssyncset.done $0x0  }
0x77: {  	s28 =	sadd.s32 $0x1400, s26;
	[sflag:s21] =	ssyncadd.s32 $0xFFFFC000  }
0x78: {  	[tilespmem:s17], [sflag:$0x1] =	stream.indirect.gather [hbm4b:s4+s16], $0x80, s28, s16, $0xb8;
	[tilespmem:$0x1E800] =	vst v63  }
0x79: {  	_ =	swait.ge [sflag:s18], $0x4000  }
0x7a: {  	[sflag:s18] =	ssyncset.done $0x0  }
.Ltmp1:
0x7b: {  	s28 =	sadd.s32 $0x2800, s26;
	[sflag:s18] =	ssyncadd.s32 $0xFFFFC000;
	(pc) =	sbr.rel @p0 .LBB2_4-.Ltmp1, $4  }
0x7c: {  	[spmem:s2] =	stream.indirect.scatter.add.f32 [tilespmem:s17], [sflag:$0x3], $0x80, s28, s16, $0xb8;
	[tilespmem:$0x1E800] =	vst v63  }
0x7d: {  	_ =	swait.ge [sflag:s22], $0x4000  }
0x7e: {  	[sflag:s22] =	ssyncset.done $0x0  }
0x7f: {  	s26 =	sadd.s32 $0x1480, s26;
	[sflag:s22] =	ssyncadd.s32 $0xFFFFC000  }
0x80: {  	[tilespmem:s19], [sflag:$0x2] =	stream.indirect.gather [hbm4b:s4+s16], $0x80, s26, s16, $0xb8;
	[tilespmem:$0x1E800] =	vst v63  }
0x81: {  	_ =	swait.ge [sflag:s20], $0x4000  }
0x82: {  	[sflag:s20] =	ssyncset.done $0x0  }
0x83: {  	[sflag:s20] =	ssyncadd.s32 $0xFFFFC000  }
0x84: {  	[spmem:s2] =	stream.indirect.scatter.add.f32 [tilespmem:s19], [sflag:$0x4], $0x80, s23, s16, $0xb8;
	[tilespmem:$0x1E800] =	vst v63  }
0x85: {  	_ =	swait.ge [sflag:s21], $0x4000  }
0x86: {  	[sflag:s21] =	ssyncset.done $0x0  }
0x87: {  	[sflag:s21] =	ssyncadd.s32 $0xFFFFC000  }
0x88: {  	_ =	swait.ge [sflag:s22], $0x4000  }
0x89: {  	s24 =	sadd.s32 $0x1, s24;
	[sflag:s22] =	ssyncset.done $0x0  }
0x8a: {  	p0 =	sne.s32 s24, s8;
	[sflag:s22] =	ssyncadd.s32 $0xFFFFC000  }
.Ltmp2:
0x8b: {  	[bflag:$0x0] =	sbarrier.arrive $0xFFFF;
	(pc) =	sbr.rel @p0 .LBB2_1-.Ltmp2, $4  }
0x8c: {  	[hbm:s7], [sflag:s6] =	dma.local [spmem:s13], $0x2800  }
0x8d: {  	_ =	swait.ge [sflag:s14], $0x2800  }
0x8e: {  	[sflag:s14] =	ssyncset.done $0x0  }
0x8f: {  	[sflag:s14] =	ssyncadd.s32 $0xFFFFD800  }
0x90: {  	_ =	sfence.sel $0x180000  }
0x91: {  	[bflag:$0x0] =	sbarrier.arrive $0xFFFF  }
0x92: {  	p0 =	sne.s32 s1, $0x0;
	_ =	strace $0x9000004A  }
0x93: {  	s0 =	sadd.s32 @!p0 $0x100000, s0;
	[bflag:$0x2] =	sbarrier.arrive $0xFFFF  }
0x94: {  	[sflag:s0] =	ssyncadd.tile.s32 @!p0 $0x1;
	_ =	shalt  }
.Lfunc_end2:
_tile_overlayer_lowered:
.L_overlay_start_2:
0x95: {  	(tag) =	ssettag $0x2  }
0x96: {  	s0 =	rddreg [dreg:$0x0];
	s2 =	stileid.u32  }
0x97: {  	s1 =	rddreg [dreg:$0x1];
	p0 =	sne.s32 s2, $0x0  }
0x98: {  	s3 =	rddreg [dreg:$0x2];
	[bflag:$0x3] =	sbarrier.arrive $0xFFFF;
	s2 =	simm.s32 @!p0 $0x1C05  }
0x99: {  	[timem:s3], [sflag:s2] =	dma.local @!p0 [hbm:s0], s1  }
0x9a: {  	s0 =	simm.s32 @!p0 $0x5  }
0x9b: {  	_ =	swait.ge @!p0 [sflag:s0], s1  }
0x9c: {  	s1 =	ssub.s32 @!p0 $0x0, s1;
	[sflag:s0] =	ssyncset.done @!p0 $0x0  }
0x9d: {  	[sflag:s0] =	ssyncadd.s32 @!p0 s1  }
0x9e: {  	[bflag:$0x3] =	sbarrier.arrive $0xFFFF  }
0x9f: {  	_ =	shalt  }

// kernel: kernel.14.cloned.1.call-start
scs
__scs_entry_jumppad:
0x0: {  	(pc) =	sbr.rel $0x88, $3  }
0x1: {  	(tag) =	ssettag $0x0;
	lr =	simm.s32 $0x1  }
0x2: {  	[smem:$0x3F99] =	sst lr;
	_ =	strace $0xD0000000  }
0x3: {  	_ = 	snop  }
0x4: {  	_ = 	snop  }
0x5: {  	_ = 	snop  }
0x6: {  	_ = 	snop  }
0x7: {  	_ = 	snop  }
__scs_overlays_trampoline_lowered:
0x8: {  	[smem:$0x3FA8] =	sst s0  }
0x9: {  	[smem:$0x3FA9] =	sst s1  }
0xa: {  	[smem:$0x3FAA] =	sst s2  }
0xb: {  	[smem:$0x3FAB] =	sst s3  }
0xc: {  	[smem:$0x3FAC] =	sst s4  }
0xd: {  	[smem:$0x3FAD] =	sst s5  }
0xe: {  	[smem:$0x3FAE] =	sst s6  }
0xf: {  	[smem:$0x3FAF] =	sst s7  }
0x10: {  	[smem:$0x3FB0] =	sst s8  }
0x11: {  	[smem:$0x3FB1] =	sst s9;
	s0 =	simm.s32 @!p0 $0x0  }
0x12: {  	s1 =	sld [smem:$0x3F97];
	s0 =	simm.s32 @p0 $0x1  }
0x13: {  	[smem:$0x3FB2] =	sst s0;
	s0 =	simm.s32 @!p1 $0x0  }
0x14: {  	s2 =	sld [smem:$0x3F96];
	s0 =	simm.s32 @p1 $0x1  }
0x15: {  	[smem:$0x3FB3] =	sst s0;
	s0 =	simm.s32 @!p2 $0x0  }
0x16: {  	s3 =	sld [smem:$0x3FDB];
	s0 =	simm.s32 @p2 $0x1  }
0x17: {  	s4 =	simm.s32 $0x1BF5;
	[smem:$0x3FB5] =	sst s0  }
0x18: {  	s0 =	sld [smem:$0x3F98];
	_ =	swait.ge [sflag:s4], $0x0  }
0x19: {  	s7 =	sld [smem:$0x3F99]  }
0x1a: {  	s8 =	sadd.s32 $0xFFFFE003, lr  }
0x1b: {  	s9 =	sadd.s32 $0xFFFFFEF7, lr;
	s5 =	simm.s32 $0xFFFFFFFF;
	p2 =	slt.u32 s8, $0xFFFFF086  }
0x1c: {  	p1 =	slt.u32 s9, $0xF7A;
	s5 =	simm.s32 @!p2 $0x0  }
0x1d: {  	s5 =	simm.s32 @p1 $0x1;
	p0 =	seq.s32 s7, s2  }
0x1e: {  	s7 =	smul.u32 @!p0 $0xF7A, s2;
	p2 =	seq.s32 @!p0 s5, $0x0  }
0x1f: {  	s9 =	smul.u32 $0xF7A, s1;
	s8 =	simm.s32 @!p0 $0x1BF5;
	p2 =	por !p2, p0  }
0x20: {  	[sflag:s8] =	ssyncset.s32 @!p0 $0xFFFFF086;
	s6 =	sadd.s32 @!p0 s3, s7;
	s7 =	simm.s32 @!p0 $0x108  }
0x21: {  	s3 =	sadd.s32 s3, s9;
	s6 =	sadd.s32 @!p0 $0x88, s6;
	s7 =	simm.s32 @p2 $0x1082  }
0x22: {  	[simem:s7], [sflag:s8] =	dma.local @!p0 [hbm:s6], $0xF7A  }
0x23: {  	s9 =	sor.u32 $0xD0000000, s2;
	s6 =	simm.s32 $0x108;
	_ =	swait.ge @!p0 [sflag:s8], $0x0  }
0x24: {  	s3 =	sadd.s32 $0x88, s3;
	s6 =	simm.s32 @!p1 $0x1082;
	[sflag:s4] =	ssyncset.s32 $0xFFFFF086  }
0x25: {  	[simem:s6], [sflag:s4] =	dma.local [hbm:s3], $0xF7A  }
0x26: {  	[smem:$0x3F99] =	sst s1;
	(tag) =	ssettag s2;
	_ =	strace s9  }
0x27: {  	s1 =	sld [smem:$0x3FA9]  }
0x28: {  	s2 =	sld [smem:$0x3FAA]  }
0x29: {  	s4 =	sld [smem:$0x3FAC]  }
0x2a: {  	p0 =	seq.s32 s5, $0x0;
	s5 =	sld [smem:$0x3FAD]  }
0x2b: {  	s6 =	sld [smem:$0x3FAE]  }
0x2c: {  	s7 =	sld [smem:$0x3FAF]  }
0x2d: {  	s3 =	simm.s32 $0x108;
	s8 =	sld [smem:$0x3FB0]  }
0x2e: {  	s3 =	simm.s32 @!p0 $0x1082;
	s9 =	sld [smem:$0x3FB1]  }
0x2f: {  	lr =	sadd.s32 s0, s3;
	s0 =	sld [smem:$0x3FA8]  }
0x30: {  	s3 =	sld [smem:$0x3FAB]  }
0x31: {  	[smem:$0x3FB4] =	sst s10  }
0x32: {  	s10 =	sld [smem:$0x3FB2];
	_ =	sdelay $0x3  }
0x33: {  	p0 =	seq.s32 s10, $0x1;
	s10 =	sld [smem:$0x3FB4];
	_ =	sdelay $0x3  }
0x34: {  	[smem:$0x3FB4] =	sst s10  }
0x35: {  	s10 =	sld [smem:$0x3FB3];
	_ =	sdelay $0x3  }
0x36: {  	p1 =	seq.s32 s10, $0x1;
	s10 =	sld [smem:$0x3FB4];
	_ =	sdelay $0x3  }
0x37: {  	[smem:$0x3FB4] =	sst s10  }
0x38: {  	s10 =	sld [smem:$0x3FB5]  }
0x39: {  	_ = 	snop;
	(pc) =	sbr.ind lr, $3  }
0x3a: {  	_ = 	snop  }
0x3b: {  	_ = 	snop  }
0x3c: {  	p2 =	seq.s32 s10, $0x1;
	s10 =	sld [smem:$0x3FB4]  }
0x3d: {  	_ =	shalt  }
0x3e: {  	_ =	shalt  }
0x3f: {  	_ =	shalt  }
0x40: {  	_ =	shalt  }
0x41: {  	_ =	shalt  }
0x42: {  	_ =	shalt  }
0x43: {  	_ =	shalt  }
0x44: {  	_ =	shalt  }
0x45: {  	_ =	shalt  }
0x46: {  	_ =	shalt  }
0x47: {  	_ =	shalt  }
0x48: {  	_ =	shalt  }
0x49: {  	_ =	shalt  }
0x4a: {  	_ =	shalt  }
0x4b: {  	_ =	shalt  }
0x4c: {  	_ =	shalt  }
0x4d: {  	_ =	shalt  }
0x4e: {  	_ =	shalt  }
0x4f: {  	_ =	shalt  }
0x50: {  	_ =	shalt  }
0x51: {  	_ =	shalt  }
0x52: {  	_ =	shalt  }
0x53: {  	_ =	shalt  }
0x54: {  	_ =	shalt  }
0x55: {  	_ =	shalt  }
0x56: {  	_ =	shalt  }
0x57: {  	_ =	shalt  }
0x58: {  	_ =	shalt  }
0x59: {  	_ =	shalt  }
0x5a: {  	_ =	shalt  }
0x5b: {  	_ =	shalt  }
0x5c: {  	_ =	shalt  }
0x5d: {  	_ =	shalt  }
0x5e: {  	_ =	shalt  }
0x5f: {  	_ =	shalt  }
0x60: {  	_ =	shalt  }
0x61: {  	_ =	shalt  }
0x62: {  	_ =	shalt  }
0x63: {  	_ =	shalt  }
0x64: {  	_ =	shalt  }
0x65: {  	_ =	shalt  }
0x66: {  	_ =	shalt  }
0x67: {  	_ =	shalt  }
0x68: {  	_ =	shalt  }
0x69: {  	_ =	shalt  }
0x6a: {  	_ =	shalt  }
0x6b: {  	_ =	shalt  }
0x6c: {  	_ =	shalt  }
0x6d: {  	_ =	shalt  }
0x6e: {  	_ =	shalt  }
0x6f: {  	_ =	shalt  }
0x70: {  	_ =	shalt  }
0x71: {  	_ =	shalt  }
0x72: {  	_ =	shalt  }
0x73: {  	_ =	shalt  }
0x74: {  	_ =	shalt  }
0x75: {  	_ =	shalt  }
0x76: {  	_ =	shalt  }
0x77: {  	_ =	shalt  }
0x78: {  	_ =	shalt  }
0x79: {  	_ =	shalt  }
0x7a: {  	_ =	shalt  }
0x7b: {  	_ =	shalt  }
0x7c: {  	_ =	shalt  }
0x7d: {  	_ =	shalt  }
0x7e: {  	_ =	shalt  }
0x7f: {  	_ =	shalt  }
0x80: {  	_ =	shalt  }
0x81: {  	_ =	shalt  }
0x82: {  	_ =	shalt  }
0x83: {  	_ =	shalt  }
0x84: {  	_ =	shalt  }
0x85: {  	_ =	shalt  }
0x86: {  	_ =	shalt  }
0x87: {  	_ =	shalt  }
.Lfunc_end0:
.L_simem_size_0:
called_computation.2_lowered:
.L_overlay_start_0:
0x88: {  	s2 =	sld [smem:$0x3FD9]  }
0x89: {  	s3 =	sld [smem:$0x3FFE];
	_ =	sdelay $0x1  }
0x8a: {  	s1 =	srdreg.scid  }
0x8b: {  	s0 =	sand.u32 $0x1, s1  }
0x8c: {  	s16 =	sshll.u32 s0, $0xA;
	s2 =	sadd.s32 s3, s2  }
0x8d: {  	s2 =	sadd.s32 s2, s16  }
0x8e: {  	[smem:$0x3FC0] =	sst s2  }
0x8f: {  	_ = 	snop  }
0x90: {  	(tm) =	ssettm $0x1  }
0x91: {  	s17 =	sld [smem:$0x3FFB];
	_ =	sdelay $0x3  }
0x92: {  	_ =	strace s17  }
0x93: {  	s2 =	sld [smem:$0x3FFC];
	_ =	sdelay $0x3  }
0x94: {  	_ =	strace s2  }
0x95: {  	s2 =	sld [smem:$0x3FFD];
	_ =	sdelay $0x3  }
0x96: {  	_ =	strace s2  }
0x97: {  	_ =	strace $0x8FFFFFFF  }
0x98: {  	s18 =	sld [smem:$0x3FDB];
	_ =	sdelay $0x1  }
0x99: {  	s19 =	simm.s32 $_scs_section_size  }
0x9a: {  	s4 =	simm.s32 $_size__tile_overlayer_lowered;
	s5 =	simm.s32 $_tile_overlayer_lowered  }
0x9b: {  	s22 =	simm.s32 $0x1BFF;
	s21 =	sshll.u32 s5, $0x1;
	s2 =	sadd.s32 s19, s18  }
0x9c: {  	s6 =	simm.s32 $0x0;
	s20 =	sshll.u32 s4, $0x1;
	s4 =	sadd.s32 s21, s2  }
0x9d: {  	[timem:s6], [sflag:s22] =	dma.local [hbm:s4], s20  }
0x9e: {  	_ =	swait.ge [sflag:s22], s20  }
0x9f: {  	s3 =	ssub.s32 $0x0, s20;
	[sflag:s22] =	ssyncset.done $0x0  }
0xa0: {  	[sflag:s22] =	ssyncadd.s32 s3;
	_ =	sdelay $0x1  }
0xa1: {  	s23 =	simm.s32 $0x1B8B  }
0xa2: {  	_ =	swait.ge [sflag:s23], $0x1  }
0xa3: {  	[sflag:s23] =	ssyncset.done $0x0  }
0xa4: {  	s25 =	simm.s32 $0x1B8E;
	s24 =	sld [smem:$0x3FFE];
	[sflag:s23] =	ssyncadd.s32 $0xFFFFFFFF  }
0xa5: {  	s26 =	simm.s32 $execute0_lowered;
	[smem:$0x3FD2] =	sst s25  }
0xa6: {  	s4 =	sshll.u32 s26, $0x1;
	_ =	strace $0x8000004C;
	[dreg:$0x1] =	wrdreg $0xFFFFFFFF  }
0xa7: {  	s28 =	simm.s32 $_size_execute0_lowered;
	s2 =	sadd.s32 s2, s4;
	[dreg:$0x0] =	wrdreg $0x0  }
0xa8: {  	s4 =	sshll.u32 s28, $0x1;
	[dreg:$0x2] =	wrdreg s2  }
0xa9: {  	[dreg:$0x3] =	wrdreg s4  }
0xaa: {  	[dreg:$0x4] =	wrdreg $0xC0  }
0xab: {  	_ =	task [dreg:s6], $0x5FFFF  }
0xac: {  	[dreg:$0x1] =	wrdreg $0xFFFFFFFF  }
0xad: {  	[dreg:$0x0] =	wrdreg $0x60  }
0xae: {  	[dreg:$0x2] =	wrdreg s24  }
0xaf: {  	[dreg:$0x3] =	wrdreg $0xA8000  }
0xb0: {  	[dreg:$0x4] =	wrdreg $0x9  }
0xb1: {  	_ =	task.clear_ibuf [dreg:s6], $0x5FFFF;
	_ =	strace $0x9000004C  }
0xb2: {  	s29 =	simm.s32 $0x9;
	_ =	strace $0x8000004E  }
0xb3: {  	_ =	swait.ge [sflag:s29], $0x1  }
0xb4: {  	[sflag:s29] =	ssyncadd.s32 $0xFFFFFFFF  }
0xb5: {  	_ =	strace $0x9000004E  }
0xb6: {  	_ =	sfence  }
0xb7: {  	s30 =	sld [smem:$0x0];
	_ =	sdelay $0x2  }
0xb8: {  	s31 =	sshll.u32 s1, $0xD;
	s1 =	sshrl.u32 s1, $0x2  }
0xb9: {  	s3 =	sand.u32 $0x4000, s31;
	s1 =	sadd.s32 s1, s30  }
0xba: {  	s0 =	sor.u32 s3, s0;
	s1 =	sshll.u32 s1, $0x11  }
0xbb: {  	s0 =	sor.u32 s1, s0  }
0xbc: {  	s0 =	sadd.s32 $0x8F2B, s0  }
0xbd: {  	[sflag:s0] =	ssyncadd.remote.s32 $0x1  }
0xbe: {  	_ =	sfence.sel $0xFFFF  }
0xbf: {  	[dreg:$0x0] =	wrdreg $0xFFFFFFFF;
	(pc) =	sbr.abs _section_cstart, $3  }
0xc0: {  	[dreg:$0x1] =	wrdreg $0xFFFFFFFF  }
0xc1: {  	_ =	task.clear_ibuf [dreg:s6], $0x2FFFF;
	_ =	strace $0x9FFFFFFF  }
0xc2: {  	(tm) =	ssettm $0x7FFFFFFF  }
0xc3: {  	_ =	shalt  }
tec
execute0_lowered:
.L_overlay_start_1:
0x0: {  	(tag) =	ssettag $0x1  }
0x1: {  	s9 =	rddreg [dreg:$0x0]  }
0x2: {  	s2 =	rddreg [dreg:$0x1]  }
0x3: {  	s0 =	rddreg [dreg:$0x2];
	s3 =	simm.s32 $0x0  }
0x4: {  	s4 =	srdreg.scid;
	s1 =	stileid.u32;
	s15 =	simm.s32 $0x1400  }
0x5: {  	s16 =	simm.s32 $0x80;
	s17 =	simm.s32 $0x2800;
	s18 =	simm.s32 $0x1  }
0x6: {  	s19 =	simm.s32 $0x6800;
	s20 =	simm.s32 $0x2;
	s21 =	simm.s32 $0x3  }
0x7: {  	s22 =	simm.s32 $0x4;
	s23 =	simm.s32 $0x2780;
	s24 =	simm.s32 $0x0  }
0x8: {  	[smem:$0x7FF] =	sst s3;
	s10 =	sand.u32 $0x1, s4;
	s8 =	smul.u32 $0x2800, s1  }
0x9: {  	s4 =	sadd.s32 $0x16600, s9;
	s5 =	sadd.s32 $0x40E00, s9;
	s13 =	smul.u32 $0x50000, s1  }
0xa: {  	s6 =	sadd.s32 $0xC600, s9;
	s7 =	sadd.s32 $0x2600, s9;
	s11 =	smul.u32 $0x28000, s10  }
0xb: {  	s12 =	ssub.s32 $0x2, s10;
	p0 =	seq.s32 s10, $0x1;
	s10 =	smul.u32 $0xA0, s1  }
.Ltmp0:
0xc: {  	s31 =	sshll.u32 s1, $0x6;
	_ =	strace $0x8000004D;
	(pc) =	sbr.rel .LBB2_1-.Ltmp0, $4  }
0xd: {  	s29 =	sshrl.u32 s12, $0x1;
	s30 =	sshrl.u32 s13, $0x2;
	s11 =	sadd.s32 s8, s11  }
0xe: {  	s8 =	sadd.s32 $0x3E600, s9;
	s12 =	ssub.s32 s12, s29;
	s14 =	sadd.s32 s30, s2  }
0xf: {  	s11 =	sadd.s32 s11, s9;
	s9 =	sor.u32 $0x1C05, s31;
	s12 =	smax.u32 s12, $0x1  }
0x10: {  	s13 =	sshrl.u32 s14, $0x3;
	s14 =	simm.s32 $0x5;
	s11 =	sadd.s32 $0x68E00, s11  }
.LBB2_8:
0x11: {  	s24 =	sadd.s32 $0x1, s24  }
0x12: {  	p1 =	sne.s32 s24, s12  }
.Ltmp1:
0x13: {  	[bflag:$0x0] =	sbarrier.arrive $0xFFFF;
	(pc) =	sbr.rel @!p1 .LBB2_9-.Ltmp1, $4  }
0x14: {  	[hbm:s11], [sflag:s9] =	dma.local [spmem:s13], $0x2800  }
0x15: {  	_ =	swait.ge [sflag:s14], $0x2800  }
0x16: {  	[sflag:s14] =	ssyncset.done $0x0  }
0x17: {  	[sflag:s14] =	ssyncadd.s32 $0xFFFFD800  }
.LBB2_1:
0x18: {  	[spmem:s13], [sflag:s9] =	dma.local [hbm:s8], $0x2800  }
.Ltmp2:
0x19: {  	_ =	swait.ge [sflag:s14], $0x2800;
	(pc) =	sbr.rel @!p0 .LBB2_2-.Ltmp2, $4  }
0x1a: {  	[sflag:s14] =	ssyncset.done $0x0  }
0x1b: {  	[sflag:s14] =	ssyncadd.s32 $0xFFFFD800  }
0x1c: {  	[bflag:$0x0] =	sbarrier.arrive $0xFFFF  }
0x1d: {  	s25 =	simm.s32 $0x0;
	s26 =	simm.s32 $0x0  }
.LBB2_5:
0x1e: {  	s25 =	smul.u32 $0x28, s26;
	_ =	sdelay $0x1  }
0x1f: {  	s25 =	sadd.s32 s10, s25  }
0x20: {  	s25 =	sshll.u32 s25, $0x4  }
0x21: {  	s28 =	sadd.s32 s6, s25  }
0x22: {  	[tilespmem:s3], [sflag:$0x5] =	stream.linear.gather [hbm4b:s28+s3], $0x1400, $0x38;
	[tilespmem:$0x1E800] =	vst v63  }
0x23: {  	_ =	swait.ge [sflag:s14], $0x1400  }
0x24: {  	[sflag:s14] =	ssyncset.done $0x0  }
0x25: {  	s25 =	sadd.s32 s7, s25;
	[sflag:s14] =	ssyncadd.s32 $0xFFFFEC00  }
0x26: {  	[tilespmem:s15], [sflag:$0x5] =	stream.linear.gather [hbm4b:s25+s3], $0x1400, $0x38;
	[tilespmem:$0x1E800] =	vst v63  }
0x27: {  	_ =	swait.ge [sflag:s14], $0x1400  }
0x28: {  	[sflag:s14] =	ssyncset.done $0x0  }
0x29: {  	[sflag:s14] =	ssyncadd.s32 $0xFFFFEC00  }
0x2a: {  	[tilespmem:s17], [sflag:$0x1] =	stream.indirect.gather [hbm4b:s5+s16], $0x80, s3, s16, $0xb8;
	[tilespmem:$0x1E800] =	vst v63  }
0x2b: {  	_ =	swait.ge [sflag:s18], $0x4000  }
0x2c: {  	[sflag:s18] =	ssyncset.done $0x0  }
0x2d: {  	[sflag:s18] =	ssyncadd.s32 $0xFFFFC000  }
0x2e: {  	[spmem:s2] =	stream.indirect.scatter.add.f32 [tilespmem:s17], [sflag:$0x3], $0x80, s15, s16, $0xb8;
	[tilespmem:$0x1E800] =	vst v63  }
0x2f: {  	_ = 	snop  }
0x30: {  	[tilespmem:s19], [sflag:$0x2] =	stream.indirect.gather [hbm4b:s5+s16], $0x80, s16, s16, $0xb8;
	[tilespmem:$0x1E800] =	vst v63  }
0x31: {  	_ =	swait.ge [sflag:s20], $0x4000  }
0x32: {  	[sflag:s20] =	ssyncset.done $0x0  }
0x33: {  	s29 =	simm.s32 $0x1480;
	[sflag:s20] =	ssyncadd.s32 $0xFFFFC000  }
0x34: {  	[spmem:s2] =	stream.indirect.scatter.add.f32 [tilespmem:s19], [sflag:$0x4], $0x80, s29, s16, $0xb8;
	[tilespmem:$0x1E800] =	vst v63  }
0x35: {  	_ =	swait.ge [sflag:s21], $0x4000  }
0x36: {  	[sflag:s21] =	ssyncset.done $0x0  }
0x37: {  	s30 =	simm.s32 $0x100;
	[sflag:s21] =	ssyncadd.s32 $0xFFFFC000  }
0x38: {  	[tilespmem:s17], [sflag:$0x1] =	stream.indirect.gather [hbm4b:s5+s16], $0x80, s30, s16, $0xb8;
	[tilespmem:$0x1E800] =	vst v63  }
0x39: {  	_ =	swait.ge [sflag:s18], $0x4000  }
0x3a: {  	[sflag:s18] =	ssyncset.done $0x0  }
0x3b: {  	s31 =	simm.s32 $0x1500;
	[sflag:s18] =	ssyncadd.s32 $0xFFFFC000  }
0x3c: {  	[spmem:s2] =	stream.indirect.scatter.add.f32 [tilespmem:s17], [sflag:$0x3], $0x80, s31, s16, $0xb8;
	[tilespmem:$0x1E800] =	vst v63  }
0x3d: {  	_ =	swait.ge [sflag:s22], $0x4000  }
0x3e: {  	[sflag:s22] =	ssyncset.done $0x0  }
0x3f: {  	s28 =	simm.s32 $0x180;
	s25 =	simm.s32 $0xFFFFB800;
	[sflag:s22] =	ssyncadd.s32 $0xFFFFC000  }
.LBB2_6:
0x40: {  	[tilespmem:s19], [sflag:$0x2] =	stream.indirect.gather [hbm4b:s5+s16], $0x80, s28, s16, $0xb8;
	[tilespmem:$0x1E800] =	vst v63  }
0x41: {  	s28 =	smov.u32 s25  }
0x42: {  	p1 =	sne.s32 s25, $0xFFFFFC00;
	s25 =	sadd.s32 $0x400, s25;
	_ =	swait.ge [sflag:s20], $0x4000  }
0x43: {  	s28 =	sshra.s32 s28, $0x2;
	[sflag:s20] =	ssyncset.done $0x0  }
0x44: {  	s29 =	sadd.s32 $0x2780, s28;
	[sflag:s20] =	ssyncadd.s32 $0xFFFFC000  }
0x45: {  	[spmem:s2] =	stream.indirect.scatter.add.f32 [tilespmem:s19], [sflag:$0x4], $0x80, s29, s16, $0xb8;
	[tilespmem:$0x1E800] =	vst v63  }
0x46: {  	_ =	swait.ge [sflag:s21], $0x4000  }
0x47: {  	[sflag:s21] =	ssyncset.done $0x0  }
0x48: {  	s29 =	sadd.s32 $0x1400, s28;
	[sflag:s21] =	ssyncadd.s32 $0xFFFFC000  }
0x49: {  	[tilespmem:s17], [sflag:$0x1] =	stream.indirect.gather [hbm4b:s5+s16], $0x80, s29, s16, $0xb8;
	[tilespmem:$0x1E800] =	vst v63  }
0x4a: {  	_ =	swait.ge [sflag:s18], $0x4000  }
0x4b: {  	[sflag:s18] =	ssyncset.done $0x0  }
.Ltmp3:
0x4c: {  	s29 =	sadd.s32 $0x2800, s28;
	[sflag:s18] =	ssyncadd.s32 $0xFFFFC000;
	(pc) =	sbr.rel @p1 .LBB2_6-.Ltmp3, $4  }
0x4d: {  	[spmem:s2] =	stream.indirect.scatter.add.f32 [tilespmem:s17], [sflag:$0x3], $0x80, s29, s16, $0xb8;
	[tilespmem:$0x1E800] =	vst v63  }
0x4e: {  	_ =	swait.ge [sflag:s22], $0x4000  }
0x4f: {  	[sflag:s22] =	ssyncset.done $0x0  }
0x50: {  	s28 =	sadd.s32 $0x1480, s28;
	[sflag:s22] =	ssyncadd.s32 $0xFFFFC000  }
0x51: {  	[tilespmem:s19], [sflag:$0x2] =	stream.indirect.gather [hbm4b:s5+s16], $0x80, s28, s16, $0xb8;
	[tilespmem:$0x1E800] =	vst v63  }
0x52: {  	_ =	swait.ge [sflag:s20], $0x4000  }
0x53: {  	[sflag:s20] =	ssyncset.done $0x0  }
0x54: {  	s26 =	sadd.s32 $0x1, s26;
	[sflag:s20] =	ssyncadd.s32 $0xFFFFC000  }
0x55: {  	[spmem:s2] =	stream.indirect.scatter.add.f32 [tilespmem:s19], [sflag:$0x4], $0x80, s23, s16, $0xb8;
	[tilespmem:$0x1E800] =	vst v63  }
0x56: {  	p1 =	sne.s32 s26, $0x4;
	_ =	swait.ge [sflag:s21], $0x4000  }
.Ltmp4:
0x57: {  	[sflag:s21] =	ssyncset.done $0x0;
	(pc) =	sbr.rel @p1 .LBB2_5-.Ltmp4, $4  }
.Ltmp5:
0x58: {  	[sflag:s21] =	ssyncadd.s32 $0xFFFFC000;
	(pc) =	sbr.rel @!p1 .LBB2_8-.Ltmp5, $4  }
0x59: {  	_ =	swait.ge [sflag:s22], $0x4000  }
0x5a: {  	[sflag:s22] =	ssyncset.done $0x0  }
0x5b: {  	[sflag:s22] =	ssyncadd.s32 $0xFFFFC000  }
0x5c: {  	_ = 	snop  }
.LBB2_2:
0x5d: {  	s26 =	smul.u32 $0x28, s25;
	_ =	sdelay $0x1  }
0x5e: {  	s26 =	sadd.s32 s10, s26  }
0x5f: {  	s26 =	sshll.u32 s26, $0x4  }
0x60: {  	s28 =	sadd.s32 s6, s26  }
0x61: {  	[tilespmem:s3], [sflag:$0x5] =	stream.linear.gather [hbm4b:s28+s3], $0x1400, $0x38;
	[tilespmem:$0x1E800] =	vst v63  }
0x62: {  	_ =	swait.ge [sflag:s14], $0x1400  }
0x63: {  	[sflag:s14] =	ssyncset.done $0x0  }
0x64: {  	s26 =	sadd.s32 s7, s26;
	[sflag:s14] =	ssyncadd.s32 $0xFFFFEC00  }
0x65: {  	[tilespmem:s15], [sflag:$0x5] =	stream.linear.gather [hbm4b:s26+s3], $0x1400, $0x38;
	[tilespmem:$0x1E800] =	vst v63  }
0x66: {  	_ =	swait.ge [sflag:s14], $0x1400  }
0x67: {  	[sflag:s14] =	ssyncset.done $0x0  }
0x68: {  	[sflag:s14] =	ssyncadd.s32 $0xFFFFEC00  }
0x69: {  	[tilespmem:s17], [sflag:$0x1] =	stream.indirect.gather [hbm4b:s4+s16], $0x80, s3, s16, $0xb8;
	[tilespmem:$0x1E800] =	vst v63  }
0x6a: {  	_ =	swait.ge [sflag:s18], $0x4000  }
0x6b: {  	[sflag:s18] =	ssyncset.done $0x0  }
0x6c: {  	[sflag:s18] =	ssyncadd.s32 $0xFFFFC000  }
0x6d: {  	[spmem:s2] =	stream.indirect.scatter.add.f32 [tilespmem:s17], [sflag:$0x3], $0x80, s15, s16, $0xb8;
	[tilespmem:$0x1E800] =	vst v63  }
0x6e: {  	_ = 	snop  }
0x6f: {  	[tilespmem:s19], [sflag:$0x2] =	stream.indirect.gather [hbm4b:s4+s16], $0x80, s16, s16, $0xb8;
	[tilespmem:$0x1E800] =	vst v63  }
0x70: {  	_ =	swait.ge [sflag:s20], $0x4000  }
0x71: {  	[sflag:s20] =	ssyncset.done $0x0  }
0x72: {  	s29 =	simm.s32 $0x1480;
	[sflag:s20] =	ssyncadd.s32 $0xFFFFC000  }
0x73: {  	[spmem:s2] =	stream.indirect.scatter.add.f32 [tilespmem:s19], [sflag:$0x4], $0x80, s29, s16, $0xb8;
	[tilespmem:$0x1E800] =	vst v63  }
0x74: {  	_ =	swait.ge [sflag:s21], $0x4000  }
0x75: {  	[sflag:s21] =	ssyncset.done $0x0  }
0x76: {  	s30 =	simm.s32 $0x100;
	[sflag:s21] =	ssyncadd.s32 $0xFFFFC000  }
0x77: {  	[tilespmem:s17], [sflag:$0x1] =	stream.indirect.gather [hbm4b:s4+s16], $0x80, s30, s16, $0xb8;
	[tilespmem:$0x1E800] =	vst v63  }
0x78: {  	_ =	swait.ge [sflag:s18], $0x4000  }
0x79: {  	[sflag:s18] =	ssyncset.done $0x0  }
0x7a: {  	s31 =	simm.s32 $0x1500;
	[sflag:s18] =	ssyncadd.s32 $0xFFFFC000  }
0x7b: {  	[spmem:s2] =	stream.indirect.scatter.add.f32 [tilespmem:s17], [sflag:$0x3], $0x80, s31, s16, $0xb8;
	[tilespmem:$0x1E800] =	vst v63  }
0x7c: {  	_ =	swait.ge [sflag:s22], $0x4000  }
0x7d: {  	[sflag:s22] =	ssyncset.done $0x0  }
0x7e: {  	s28 =	simm.s32 $0x180;
	s26 =	simm.s32 $0xFFFFB800;
	[sflag:s22] =	ssyncadd.s32 $0xFFFFC000  }
.LBB2_3:
0x7f: {  	[tilespmem:s19], [sflag:$0x2] =	stream.indirect.gather [hbm4b:s4+s16], $0x80, s28, s16, $0xb8;
	[tilespmem:$0x1E800] =	vst v63  }
0x80: {  	s28 =	smov.u32 s26  }
0x81: {  	p1 =	sne.s32 s26, $0xFFFFFC00;
	s26 =	sadd.s32 $0x400, s26;
	_ =	swait.ge [sflag:s20], $0x4000  }
0x82: {  	s28 =	sshra.s32 s28, $0x2;
	[sflag:s20] =	ssyncset.done $0x0  }
0x83: {  	s29 =	sadd.s32 $0x2780, s28;
	[sflag:s20] =	ssyncadd.s32 $0xFFFFC000  }
0x84: {  	[spmem:s2] =	stream.indirect.scatter.add.f32 [tilespmem:s19], [sflag:$0x4], $0x80, s29, s16, $0xb8;
	[tilespmem:$0x1E800] =	vst v63  }
0x85: {  	_ =	swait.ge [sflag:s21], $0x4000  }
0x86: {  	[sflag:s21] =	ssyncset.done $0x0  }
0x87: {  	s29 =	sadd.s32 $0x1400, s28;
	[sflag:s21] =	ssyncadd.s32 $0xFFFFC000  }
0x88: {  	[tilespmem:s17], [sflag:$0x1] =	stream.indirect.gather [hbm4b:s4+s16], $0x80, s29, s16, $0xb8;
	[tilespmem:$0x1E800] =	vst v63  }
0x89: {  	_ =	swait.ge [sflag:s18], $0x4000  }
0x8a: {  	[sflag:s18] =	ssyncset.done $0x0  }
.Ltmp6:
0x8b: {  	s29 =	sadd.s32 $0x2800, s28;
	[sflag:s18] =	ssyncadd.s32 $0xFFFFC000;
	(pc) =	sbr.rel @p1 .LBB2_3-.Ltmp6, $4  }
0x8c: {  	[spmem:s2] =	stream.indirect.scatter.add.f32 [tilespmem:s17], [sflag:$0x3], $0x80, s29, s16, $0xb8;
	[tilespmem:$0x1E800] =	vst v63  }
0x8d: {  	_ =	swait.ge [sflag:s22], $0x4000  }
0x8e: {  	[sflag:s22] =	ssyncset.done $0x0  }
0x8f: {  	s28 =	sadd.s32 $0x1480, s28;
	[sflag:s22] =	ssyncadd.s32 $0xFFFFC000  }
0x90: {  	[tilespmem:s19], [sflag:$0x2] =	stream.indirect.gather [hbm4b:s4+s16], $0x80, s28, s16, $0xb8;
	[tilespmem:$0x1E800] =	vst v63  }
0x91: {  	_ =	swait.ge [sflag:s20], $0x4000  }
0x92: {  	[sflag:s20] =	ssyncset.done $0x0  }
0x93: {  	s25 =	sadd.s32 $0x1, s25;
	[sflag:s20] =	ssyncadd.s32 $0xFFFFC000  }
0x94: {  	[spmem:s2] =	stream.indirect.scatter.add.f32 [tilespmem:s19], [sflag:$0x4], $0x80, s23, s16, $0xb8;
	[tilespmem:$0x1E800] =	vst v63  }
0x95: {  	p1 =	seq.s32 s25, $0x4;
	_ =	swait.ge [sflag:s21], $0x4000  }
.Ltmp7:
0x96: {  	[sflag:s21] =	ssyncset.done $0x0;
	(pc) =	sbr.rel @!p1 .LBB2_2-.Ltmp7, $4  }
.Ltmp8:
0x97: {  	[sflag:s21] =	ssyncadd.s32 $0xFFFFC000;
	(pc) =	sbr.rel @p1 .LBB2_8-.Ltmp8, $4  }
0x98: {  	_ =	swait.ge [sflag:s22], $0x4000  }
0x99: {  	[sflag:s22] =	ssyncset.done $0x0  }
0x9a: {  	[sflag:s22] =	ssyncadd.s32 $0xFFFFC000  }
0x9b: {  	_ = 	snop  }
.LBB2_9:
0x9c: {  	_ =	sfence.sel $0x180000  }
0x9d: {  	[bflag:$0x0] =	sbarrier.arrive $0xFFFF  }
0x9e: {  	p0 =	sne.s32 s1, $0x0;
	_ =	strace $0x9000004D  }
0x9f: {  	s0 =	sadd.s32 @!p0 $0x100000, s0;
	[bflag:$0x2] =	sbarrier.arrive $0xFFFF  }
0xa0: {  	[sflag:s0] =	ssyncadd.tile.s32 @!p0 $0x1;
	_ =	shalt  }
.Lfunc_end2:
_tile_overlayer_lowered:
.L_overlay_start_2:
0xa1: {  	(tag) =	ssettag $0x2  }
0xa2: {  	s0 =	rddreg [dreg:$0x0];
	s2 =	stileid.u32  }
0xa3: {  	s1 =	rddreg [dreg:$0x1];
	p0 =	sne.s32 s2, $0x0  }
0xa4: {  	s3 =	rddreg [dreg:$0x2];
	[bflag:$0x3] =	sbarrier.arrive $0xFFFF;
	s2 =	simm.s32 @!p0 $0x1C05  }
0xa5: {  	[timem:s3], [sflag:s2] =	dma.local @!p0 [hbm:s0], s1  }
0xa6: {  	s0 =	simm.s32 @!p0 $0x5  }
0xa7: {  	_ =	swait.ge @!p0 [sflag:s0], s1  }
0xa8: {  	s1 =	ssub.s32 @!p0 $0x0, s1;
	[sflag:s0] =	ssyncset.done @!p0 $0x0  }
0xa9: {  	[sflag:s0] =	ssyncadd.s32 @!p0 s1  }
0xaa: {  	[bflag:$0x3] =	sbarrier.arrive $0xFFFF  }
0xab: {  	_ =	shalt  }

// kernel: kernel.8.cloned.1.call-start
scs
__scs_entry_jumppad:
0x0: {  	(pc) =	sbr.rel $0x88, $3  }
0x1: {  	(tag) =	ssettag $0x0;
	lr =	simm.s32 $0x1  }
0x2: {  	[smem:$0x3F99] =	sst lr;
	_ =	strace $0xD0000000  }
0x3: {  	_ = 	snop  }
0x4: {  	_ = 	snop  }
0x5: {  	_ = 	snop  }
0x6: {  	_ = 	snop  }
0x7: {  	_ = 	snop  }
__scs_overlays_trampoline_lowered:
0x8: {  	[smem:$0x3FA8] =	sst s0  }
0x9: {  	[smem:$0x3FA9] =	sst s1  }
0xa: {  	[smem:$0x3FAA] =	sst s2  }
0xb: {  	[smem:$0x3FAB] =	sst s3  }
0xc: {  	[smem:$0x3FAC] =	sst s4  }
0xd: {  	[smem:$0x3FAD] =	sst s5  }
0xe: {  	[smem:$0x3FAE] =	sst s6  }
0xf: {  	[smem:$0x3FAF] =	sst s7  }
0x10: {  	[smem:$0x3FB0] =	sst s8  }
0x11: {  	[smem:$0x3FB1] =	sst s9;
	s0 =	simm.s32 @!p0 $0x0  }
0x12: {  	s1 =	sld [smem:$0x3F97];
	s0 =	simm.s32 @p0 $0x1  }
0x13: {  	[smem:$0x3FB2] =	sst s0;
	s0 =	simm.s32 @!p1 $0x0  }
0x14: {  	s2 =	sld [smem:$0x3F96];
	s0 =	simm.s32 @p1 $0x1  }
0x15: {  	[smem:$0x3FB3] =	sst s0;
	s0 =	simm.s32 @!p2 $0x0  }
0x16: {  	s3 =	sld [smem:$0x3FDB];
	s0 =	simm.s32 @p2 $0x1  }
0x17: {  	s4 =	simm.s32 $0x1BF5;
	[smem:$0x3FB5] =	sst s0  }
0x18: {  	s0 =	sld [smem:$0x3F98];
	_ =	swait.ge [sflag:s4], $0x0  }
0x19: {  	s7 =	sld [smem:$0x3F99]  }
0x1a: {  	s8 =	sadd.s32 $0xFFFFE003, lr  }
0x1b: {  	s9 =	sadd.s32 $0xFFFFFEF7, lr;
	s5 =	simm.s32 $0xFFFFFFFF;
	p2 =	slt.u32 s8, $0xFFFFF086  }
0x1c: {  	p1 =	slt.u32 s9, $0xF7A;
	s5 =	simm.s32 @!p2 $0x0  }
0x1d: {  	s5 =	simm.s32 @p1 $0x1;
	p0 =	seq.s32 s7, s2  }
0x1e: {  	s7 =	smul.u32 @!p0 $0xF7A, s2;
	p2 =	seq.s32 @!p0 s5, $0x0  }
0x1f: {  	s9 =	smul.u32 $0xF7A, s1;
	s8 =	simm.s32 @!p0 $0x1BF5;
	p2 =	por !p2, p0  }
0x20: {  	[sflag:s8] =	ssyncset.s32 @!p0 $0xFFFFF086;
	s6 =	sadd.s32 @!p0 s3, s7;
	s7 =	simm.s32 @!p0 $0x108  }
0x21: {  	s3 =	sadd.s32 s3, s9;
	s6 =	sadd.s32 @!p0 $0x88, s6;
	s7 =	simm.s32 @p2 $0x1082  }
0x22: {  	[simem:s7], [sflag:s8] =	dma.local @!p0 [hbm:s6], $0xF7A  }
0x23: {  	s9 =	sor.u32 $0xD0000000, s2;
	s6 =	simm.s32 $0x108;
	_ =	swait.ge @!p0 [sflag:s8], $0x0  }
0x24: {  	s3 =	sadd.s32 $0x88, s3;
	s6 =	simm.s32 @!p1 $0x1082;
	[sflag:s4] =	ssyncset.s32 $0xFFFFF086  }
0x25: {  	[simem:s6], [sflag:s4] =	dma.local [hbm:s3], $0xF7A  }
0x26: {  	[smem:$0x3F99] =	sst s1;
	(tag) =	ssettag s2;
	_ =	strace s9  }
0x27: {  	s1 =	sld [smem:$0x3FA9]  }
0x28: {  	s2 =	sld [smem:$0x3FAA]  }
0x29: {  	s4 =	sld [smem:$0x3FAC]  }
0x2a: {  	p0 =	seq.s32 s5, $0x0;
	s5 =	sld [smem:$0x3FAD]  }
0x2b: {  	s6 =	sld [smem:$0x3FAE]  }
0x2c: {  	s7 =	sld [smem:$0x3FAF]  }
0x2d: {  	s3 =	simm.s32 $0x108;
	s8 =	sld [smem:$0x3FB0]  }
0x2e: {  	s3 =	simm.s32 @!p0 $0x1082;
	s9 =	sld [smem:$0x3FB1]  }
0x2f: {  	lr =	sadd.s32 s0, s3;
	s0 =	sld [smem:$0x3FA8]  }
0x30: {  	s3 =	sld [smem:$0x3FAB]  }
0x31: {  	[smem:$0x3FB4] =	sst s10  }
0x32: {  	s10 =	sld [smem:$0x3FB2];
	_ =	sdelay $0x3  }
0x33: {  	p0 =	seq.s32 s10, $0x1;
	s10 =	sld [smem:$0x3FB4];
	_ =	sdelay $0x3  }
0x34: {  	[smem:$0x3FB4] =	sst s10  }
0x35: {  	s10 =	sld [smem:$0x3FB3];
	_ =	sdelay $0x3  }
0x36: {  	p1 =	seq.s32 s10, $0x1;
	s10 =	sld [smem:$0x3FB4];
	_ =	sdelay $0x3  }
0x37: {  	[smem:$0x3FB4] =	sst s10  }
0x38: {  	s10 =	sld [smem:$0x3FB5]  }
0x39: {  	_ = 	snop;
	(pc) =	sbr.ind lr, $3  }
0x3a: {  	_ = 	snop  }
0x3b: {  	_ = 	snop  }
0x3c: {  	p2 =	seq.s32 s10, $0x1;
	s10 =	sld [smem:$0x3FB4]  }
0x3d: {  	_ =	shalt  }
0x3e: {  	_ =	shalt  }
0x3f: {  	_ =	shalt  }
0x40: {  	_ =	shalt  }
0x41: {  	_ =	shalt  }
0x42: {  	_ =	shalt  }
0x43: {  	_ =	shalt  }
0x44: {  	_ =	shalt  }
0x45: {  	_ =	shalt  }
0x46: {  	_ =	shalt  }
0x47: {  	_ =	shalt  }
0x48: {  	_ =	shalt  }
0x49: {  	_ =	shalt  }
0x4a: {  	_ =	shalt  }
0x4b: {  	_ =	shalt  }
0x4c: {  	_ =	shalt  }
0x4d: {  	_ =	shalt  }
0x4e: {  	_ =	shalt  }
0x4f: {  	_ =	shalt  }
0x50: {  	_ =	shalt  }
0x51: {  	_ =	shalt  }
0x52: {  	_ =	shalt  }
0x53: {  	_ =	shalt  }
0x54: {  	_ =	shalt  }
0x55: {  	_ =	shalt  }
0x56: {  	_ =	shalt  }
0x57: {  	_ =	shalt  }
0x58: {  	_ =	shalt  }
0x59: {  	_ =	shalt  }
0x5a: {  	_ =	shalt  }
0x5b: {  	_ =	shalt  }
0x5c: {  	_ =	shalt  }
0x5d: {  	_ =	shalt  }
0x5e: {  	_ =	shalt  }
0x5f: {  	_ =	shalt  }
0x60: {  	_ =	shalt  }
0x61: {  	_ =	shalt  }
0x62: {  	_ =	shalt  }
0x63: {  	_ =	shalt  }
0x64: {  	_ =	shalt  }
0x65: {  	_ =	shalt  }
0x66: {  	_ =	shalt  }
0x67: {  	_ =	shalt  }
0x68: {  	_ =	shalt  }
0x69: {  	_ =	shalt  }
0x6a: {  	_ =	shalt  }
0x6b: {  	_ =	shalt  }
0x6c: {  	_ =	shalt  }
0x6d: {  	_ =	shalt  }
0x6e: {  	_ =	shalt  }
0x6f: {  	_ =	shalt  }
0x70: {  	_ =	shalt  }
0x71: {  	_ =	shalt  }
0x72: {  	_ =	shalt  }
0x73: {  	_ =	shalt  }
0x74: {  	_ =	shalt  }
0x75: {  	_ =	shalt  }
0x76: {  	_ =	shalt  }
0x77: {  	_ =	shalt  }
0x78: {  	_ =	shalt  }
0x79: {  	_ =	shalt  }
0x7a: {  	_ =	shalt  }
0x7b: {  	_ =	shalt  }
0x7c: {  	_ =	shalt  }
0x7d: {  	_ =	shalt  }
0x7e: {  	_ =	shalt  }
0x7f: {  	_ =	shalt  }
0x80: {  	_ =	shalt  }
0x81: {  	_ =	shalt  }
0x82: {  	_ =	shalt  }
0x83: {  	_ =	shalt  }
0x84: {  	_ =	shalt  }
0x85: {  	_ =	shalt  }
0x86: {  	_ =	shalt  }
0x87: {  	_ =	shalt  }
.Lfunc_end0:
.L_simem_size_0:
called_computation_lowered:
.L_overlay_start_0:
0x88: {  	s2 =	sld [smem:$0x3FD9]  }
0x89: {  	s3 =	sld [smem:$0x3FFE];
	_ =	sdelay $0x1  }
0x8a: {  	s1 =	srdreg.scid  }
0x8b: {  	s0 =	sand.u32 $0x1, s1  }
0x8c: {  	s16 =	sshll.u32 s0, $0xA;
	s2 =	sadd.s32 s3, s2  }
0x8d: {  	s2 =	sadd.s32 s2, s16  }
0x8e: {  	[smem:$0x3FC0] =	sst s2  }
0x8f: {  	_ = 	snop  }
0x90: {  	(tm) =	ssettm $0x1  }
0x91: {  	s17 =	sld [smem:$0x3FFB];
	_ =	sdelay $0x3  }
0x92: {  	_ =	strace s17  }
0x93: {  	s2 =	sld [smem:$0x3FFC];
	_ =	sdelay $0x3  }
0x94: {  	_ =	strace s2  }
0x95: {  	s2 =	sld [smem:$0x3FFD];
	_ =	sdelay $0x3  }
0x96: {  	_ =	strace s2  }
0x97: {  	_ =	strace $0x8FFFFFFF  }
0x98: {  	s18 =	sld [smem:$0x3FDB];
	_ =	sdelay $0x1  }
0x99: {  	s19 =	simm.s32 $_scs_section_size  }
0x9a: {  	s4 =	simm.s32 $_size__tile_overlayer_lowered;
	s5 =	simm.s32 $_tile_overlayer_lowered  }
0x9b: {  	s22 =	simm.s32 $0x1BFF;
	s21 =	sshll.u32 s5, $0x1;
	s2 =	sadd.s32 s19, s18  }
0x9c: {  	s6 =	simm.s32 $0x0;
	s20 =	sshll.u32 s4, $0x1;
	s4 =	sadd.s32 s21, s2  }
0x9d: {  	[timem:s6], [sflag:s22] =	dma.local [hbm:s4], s20  }
0x9e: {  	_ =	swait.ge [sflag:s22], s20  }
0x9f: {  	s3 =	ssub.s32 $0x0, s20;
	[sflag:s22] =	ssyncset.done $0x0  }
0xa0: {  	[sflag:s22] =	ssyncadd.s32 s3;
	_ =	sdelay $0x1  }
0xa1: {  	s23 =	simm.s32 $0x1B8B  }
0xa2: {  	_ =	swait.ge [sflag:s23], $0x1  }
0xa3: {  	[sflag:s23] =	ssyncset.done $0x0  }
0xa4: {  	s25 =	simm.s32 $0x1B8E;
	s24 =	sld [smem:$0x3FFE];
	[sflag:s23] =	ssyncadd.s32 $0xFFFFFFFF  }
0xa5: {  	s26 =	simm.s32 $execute0_lowered;
	[smem:$0x3FD2] =	sst s25  }
0xa6: {  	s4 =	sshll.u32 s26, $0x1;
	_ =	strace $0x80000046;
	[dreg:$0x1] =	wrdreg $0xFFFFFFFF  }
0xa7: {  	s28 =	simm.s32 $_size_execute0_lowered;
	s2 =	sadd.s32 s2, s4;
	[dreg:$0x0] =	wrdreg $0x0  }
0xa8: {  	s4 =	sshll.u32 s28, $0x1;
	[dreg:$0x2] =	wrdreg s2  }
0xa9: {  	[dreg:$0x3] =	wrdreg s4  }
0xaa: {  	[dreg:$0x4] =	wrdreg $0xC0  }
0xab: {  	_ =	task [dreg:s6], $0x5FFFF  }
0xac: {  	[dreg:$0x1] =	wrdreg $0xFFFFFFFF  }
0xad: {  	[dreg:$0x0] =	wrdreg $0x60  }
0xae: {  	[dreg:$0x2] =	wrdreg s24  }
0xaf: {  	[dreg:$0x3] =	wrdreg $0x9  }
0xb0: {  	_ =	task.clear_ibuf [dreg:s6], $0x4FFFF;
	_ =	strace $0x90000046  }
0xb1: {  	s29 =	simm.s32 $0x9;
	_ =	strace $0x80000048  }
0xb2: {  	_ =	swait.ge [sflag:s29], $0x1  }
0xb3: {  	[sflag:s29] =	ssyncadd.s32 $0xFFFFFFFF  }
0xb4: {  	_ =	strace $0x90000048  }
0xb5: {  	_ =	sfence  }
0xb6: {  	s30 =	sld [smem:$0x0];
	_ =	sdelay $0x2  }
0xb7: {  	s31 =	sshll.u32 s1, $0xD;
	s1 =	sshrl.u32 s1, $0x2  }
0xb8: {  	s3 =	sand.u32 $0x4000, s31;
	s1 =	sadd.s32 s1, s30  }
0xb9: {  	s0 =	sor.u32 s3, s0;
	s1 =	sshll.u32 s1, $0x11  }
0xba: {  	s0 =	sor.u32 s1, s0  }
0xbb: {  	s0 =	sadd.s32 $0x8F2B, s0  }
0xbc: {  	[sflag:s0] =	ssyncadd.remote.s32 $0x1  }
0xbd: {  	_ =	sfence.sel $0xFFFF  }
0xbe: {  	[dreg:$0x0] =	wrdreg $0xFFFFFFFF;
	(pc) =	sbr.abs _section_cstart, $3  }
0xbf: {  	[dreg:$0x1] =	wrdreg $0xFFFFFFFF  }
0xc0: {  	_ =	task.clear_ibuf [dreg:s6], $0x2FFFF;
	_ =	strace $0x9FFFFFFF  }
0xc1: {  	(tm) =	ssettm $0x7FFFFFFF  }
tec
execute0_lowered:
.L_overlay_start_1:
0x0: {  	(tag) =	ssettag $0x1  }
0x1: {  	s0 =	srdreg.scid  }
0x2: {  	s5 =	rddreg [dreg:$0x0];
	s1 =	stileid.u32  }
0x3: {  	s2 =	simm.s32 $0x0;
	s11 =	simm.s32 $0x5000;
	s4 =	sand.u32 $0x1, s0  }
0x4: {  	s12 =	simm.s32 $0x7800;
	s0 =	rddreg [dreg:$0x1];
	s3 =	sshll.u32 s4, $0x4  }
0x5: {  	s13 =	simm.s32 $0x0;
	[smem:$0x7FF] =	sst s2;
	s3 =	sor.u32 s1, s3  }
0x6: {  	s9 =	sadd.s32 $0x16C00, s5;
	s4 =	ssub.s32 $0x2, s4;
	s6 =	smul.u32 $0x500, s3  }
0x7: {  	_ =	strace $0x80000047;
	s31 =	sshrl.u32 s4, $0x1;
	s7 =	smul.u32 $0x2800, s3  }
0x8: {  	s3 =	sadd.s32 $0x16600, s5;
	s10 =	ssub.s32 s4, s31;
	s8 =	sadd.s32 s6, s5  }
0x9: {  	s7 =	sshrl.u32 s7, $0x3;
	s6 =	sadd.s32 s9, s6;
	s4 =	sadd.s32 $0xC600, s8  }
0xa: {  	s7 =	sadd.s32 s9, s7;
	s5 =	sadd.s32 $0x2600, s8;
	s8 =	smax.u32 s10, $0x1  }
0xb: {  	v0 =	vimm.f32 $1.000000000e+00;
	s9 =	simm.s32 $0x1;
	s10 =	simm.s32 $0x2800;
	s7 =	sadd.s32 $0xA000, s7  }
.LBB2_1:
0xc: {  	[tilespmem:s2], [sflag:$0x1] =	stream.linear.gather [hbm4b:s4+s2], $0x2800, $0x38;
	[tilespmem:$0xA000] =	vst v63  }
0xd: {  	_ =	swait.ge [sflag:s9], $0x2800  }
0xe: {  	[sflag:s9] =	ssyncset.done $0x0  }
0xf: {  	[sflag:s9] =	ssyncadd.s32 $0xFFFFD800  }
0x10: {  	[tilespmem:s10], [sflag:$0x1] =	stream.linear.gather [hbm4b:s5+s2], $0x2800, $0x38;
	[tilespmem:$0xA000] =	vst v63  }
0x11: {  	_ =	swait.ge [sflag:s9], $0x2800  }
0x12: {  	[sflag:s9] =	ssyncset.done $0x0  }
0x13: {  	[sflag:s9] =	ssyncadd.s32 $0xFFFFD800  }
0x14: {  	[tilespmem:s11], [sflag:$0x1] =	stream.linear.gather [hbm4b:s3+s2], $0x2800, $0x38;
	[tilespmem:$0xA000] =	vst v63  }
0x15: {  	_ =	swait.ge [sflag:s9], $0x2800  }
0x16: {  	[sflag:s9] =	ssyncset.done $0x0  }
0x17: {  	[sflag:s9] =	ssyncadd.s32 $0xFFFFD800  }
0x18: {  	[tilespmem:s12], [sflag:$0x1] =	stream.linear.gather [hbm4b:s3+s2], $0x2800, $0x38;
	[tilespmem:$0xA000] =	vst v63  }
0x19: {  	_ =	swait.ge [sflag:s9], $0x2800  }
0x1a: {  	[sflag:s9] =	ssyncset.done $0x0  }
0x1b: {  	s15 =	simm.s32 $0x0;
	s14 =	simm.s32 $0x40;
	[sflag:s9] =	ssyncadd.s32 $0xFFFFD800  }
.LBB2_2:
0x1c: {  	p0 =	sne.s32 s14, $0x9FC0;
	v1 =	vld [tilespmem:s15+$0x0];
	_ =	sdelay $0x7  }
0x1d: {  	[tilespmem:v1+s11+$0x0] =	vst.idx.add.f32.msk $0xffff, v0  }
0x1e: {  	v1 =	vld [tilespmem:s15+$0x2800];
	_ =	sdelay $0x3  }
.Ltmp0:
0x1f: {  	(pc) =	sbr.rel @p0 .LBB2_2-.Ltmp0, $2  }
0x20: {  	_ =	sdelay $0x2  }
0x21: {  	s15 =	sshra.s32 s14, $0x2;
	s14 =	sadd.s32 $0x40, s14;
	[tilespmem:v1+s12+$0x0] =	vst.idx.add.f32.msk $0xffff, v0  }
0x22: {  	v1 =	vld [tilespmem:s15+$0x0];
	_ =	sdelay $0x7  }
0x23: {  	[tilespmem:v1+s11+$0x0] =	vst.idx.add.f32.msk $0xffff, v0  }
0x24: {  	v1 =	vld [tilespmem:s15+$0x2800];
	_ =	sdelay $0x7  }
0x25: {  	[tilespmem:v1+s12+$0x0] =	vst.idx.add.f32.msk $0xffff, v0  }
0x26: {  	[hbm4b:s6+s2] =	stream.linear.scatter [tilespmem:s11], [sflag:$0x1], $0x2800, $0x38;
	[tilespmem:$0xA000] =	vst v63  }
0x27: {  	s13 =	sadd.s32 $0x1, s13;
	_ =	swait.ge [sflag:s9], $0x2800  }
0x28: {  	p0 =	sne.s32 s13, s8;
	[sflag:s9] =	ssyncset.done $0x0  }
.Ltmp1:
0x29: {  	[sflag:s9] =	ssyncadd.s32 $0xFFFFD800;
	(pc) =	sbr.rel @p0 .LBB2_1-.Ltmp1, $4  }
0x2a: {  	[hbm4b:s7+s2] =	stream.linear.scatter [tilespmem:s12], [sflag:$0x1], $0x2800, $0x38;
	[tilespmem:$0xA000] =	vst v63  }
0x2b: {  	_ =	swait.ge [sflag:s9], $0x2800  }
0x2c: {  	[sflag:s9] =	ssyncset.done $0x0  }
0x2d: {  	[sflag:s9] =	ssyncadd.s32 $0xFFFFD800  }
0x2e: {  	_ =	sfence.sel $0x180000  }
0x2f: {  	[bflag:$0x0] =	sbarrier.arrive $0xFFFF  }
0x30: {  	p0 =	sne.s32 s1, $0x0;
	_ =	strace $0x90000047  }
0x31: {  	s0 =	sadd.s32 @!p0 $0x100000, s0;
	[bflag:$0x2] =	sbarrier.arrive $0xFFFF  }
0x32: {  	[sflag:s0] =	ssyncadd.tile.s32 @!p0 $0x1;
	_ =	shalt  }
.Lfunc_end2:
_tile_overlayer_lowered:
.L_overlay_start_2:
0x33: {  	(tag) =	ssettag $0x2  }
0x34: {  	s0 =	rddreg [dreg:$0x0];
	s2 =	stileid.u32  }
0x35: {  	s1 =	rddreg [dreg:$0x1];
	p0 =	sne.s32 s2, $0x0  }
0x36: {  	s3 =	rddreg [dreg:$0x2];
	[bflag:$0x3] =	sbarrier.arrive $0xFFFF;
	s2 =	simm.s32 @!p0 $0x1C01  }
0x37: {  	[timem:s3], [sflag:s2] =	dma.local @!p0 [hbm:s0], s1  }
0x38: {  	s0 =	simm.s32 @!p0 $0x1  }
0x39: {  	_ =	swait.ge @!p0 [sflag:s0], s1  }
0x3a: {  	s1 =	ssub.s32 @!p0 $0x0, s1;
	[sflag:s0] =	ssyncset.done @!p0 $0x0  }
0x3b: {  	[sflag:s0] =	ssyncadd.s32 @!p0 s1  }
0x3c: {  	[bflag:$0x3] =	sbarrier.arrive $0xFFFF  }
0x3d: {  	_ =	shalt  }

</sc_bundles>
